<compile_context>
chip_gen: v7x
topology: tpu7x:2x2x1
jax: 0.10.2.dev20260603
libtpu: 0.0.44.dev20260713+nightly
codegen_flags: <defaults>
</compile_context>

<pallas_src>
import jax
import jax.numpy as jnp
from jax import lax
from jax.experimental import pallas as pl
from jax.experimental.pallas import tpu as pltpu
import jax.experimental.pallas.tpu_sc as plsc

N_NODES = 10000
N_EDGES = 320000
HIDDEN = 128

NC = 2
NS = 16
CH = 1000
N_CH = N_NODES // CH
DEG_W = 16

B = 40
NB = N_EDGES // NC // NS // B
NBUF = 6
NB_MAIN = (NB // NBUF) * NBUF

_mesh = plsc.VectorSubcoreMesh(core_axis_name="c", subcore_axis_name="s")
_sc_params = pltpu.CompilerParams(use_tc_tiling_on_sc=False)


FIRE = 25


def _deg_body(dst_hbm, ones_hbm, zeros_hbm, deg_out, idx_v, ones_v, sem, deg_sh):
    cid = lax.axis_index("c")
    sid = lax.axis_index("s")

    pltpu.sync_copy(ones_hbm, ones_v)
    pltpu.sync_copy(dst_hbm.at[cid, sid], idx_v)

    @pl.when(sid < N_CH)
    def _zero_chunk():
        pltpu.sync_copy(zeros_hbm, deg_sh.at[pl.ds(sid * CH, CH)])

    plsc.subcore_barrier()

    def chunk(c, carry):
        def fire(j, carry2):
            pltpu.async_copy(ones_v, deg_sh.at[idx_v.at[c * FIRE + j]], sem,
                             add=True)
            return carry2

        lax.fori_loop(0, FIRE, fire, 0)

        def drain(j, carry2):
            pltpu.make_async_copy(ones_v, deg_sh.at[idx_v.at[0]], sem).wait()
            return carry2

        lax.fori_loop(0, FIRE, drain, 0)
        return carry

    lax.fori_loop(0, NB // FIRE, chunk, 0)
    plsc.subcore_barrier()

    @pl.when(sid < N_CH)
    def _write_chunk():
        pltpu.sync_copy(
            deg_sh.at[pl.ds(sid * CH, CH)],
            deg_out.at[cid, pl.ds(sid * CH, CH)],
        )


_deg_kernel = pl.kernel(
    _deg_body,
    out_type=jax.ShapeDtypeStruct((NC, N_NODES, DEG_W), jnp.float32),
    mesh=_mesh,
    compiler_params=_sc_params,
    scratch_types=[
        pltpu.VMEM((NB, B), jnp.int32),
        pltpu.VMEM((B, DEG_W), jnp.float32),
        pltpu.SemaphoreType.DMA,
        pltpu.VMEM_SHARED((N_NODES, DEG_W), jnp.float32),
    ],
)


def _agg_body(zs_hbm, src_hbm, dst_hbm, acc_out,
              sidx_v, didx_v, rows_refs, sem_refs, acc_sh):
    cid = lax.axis_index("c")
    sid = lax.axis_index("s")
    slots = tuple(zip(rows_refs, sem_refs))

    pltpu.sync_copy(src_hbm.at[cid, sid], sidx_v)
    pltpu.sync_copy(dst_hbm.at[cid, sid], didx_v)

    @pl.when(sid < N_CH)
    def _init_chunk():
        pltpu.sync_copy(zs_hbm.at[pl.ds(sid * CH, CH)],
                        acc_sh.at[pl.ds(sid * CH, CH)])

    plsc.subcore_barrier()

    for k in range(NBUF):
        rows, sem = slots[k]
        pltpu.async_copy(zs_hbm.at[sidx_v.at[k]], rows, sem)

    def body(t, carry):
        for k in range(NBUF):
            j = NBUF * t + k
            rows, sem = slots[k]
            pltpu.make_async_copy(zs_hbm.at[sidx_v.at[j]], rows, sem).wait()
            pltpu.sync_copy(rows, acc_sh.at[didx_v.at[j]], add=True)

            @pl.when(j + NBUF < NB)
            def _prefetch():
                pltpu.async_copy(zs_hbm.at[sidx_v.at[j + NBUF]], rows, sem)
        return carry

    lax.fori_loop(0, NB // NBUF, body, 0)
    for k in range(NB - NB_MAIN):
        j = NB_MAIN + k
        rows, sem = slots[k]
        pltpu.make_async_copy(zs_hbm.at[sidx_v.at[j]], rows, sem).wait()
        pltpu.sync_copy(rows, acc_sh.at[didx_v.at[j]], add=True)
    plsc.subcore_barrier()

    @pl.when(sid < N_CH)
    def _write_chunk():
        pltpu.sync_copy(
            acc_sh.at[pl.ds(sid * CH, CH)],
            acc_out.at[cid, pl.ds(sid * CH, CH)],
        )


_agg_kernel = pl.kernel(
    _agg_body,
    out_type=jax.ShapeDtypeStruct((NC, N_NODES, HIDDEN), jnp.float32),
    mesh=_mesh,
    compiler_params=_sc_params,
    scratch_types=[
        pltpu.VMEM((NB, B), jnp.int32),
        pltpu.VMEM((NB, B), jnp.int32),
        [pltpu.VMEM((B, HIDDEN), jnp.float32) for _ in range(NBUF)],
        [pltpu.SemaphoreType.DMA for _ in range(NBUF)],
        pltpu.VMEM_SHARED((N_NODES, HIDDEN), jnp.float32),
    ],
)


BLK = 1000


def _mma_body(x_ref, h_ref, wu_ref, ww_ref, z_ref):
    z = jnp.dot(x_ref[...], wu_ref[...], preferred_element_type=jnp.float32)
    z_ref[...] = z + jnp.dot(h_ref[...], ww_ref[...],
                             preferred_element_type=jnp.float32)


_mma_kernel = pl.pallas_call(
    _mma_body,
    grid=(N_NODES // BLK,),
    in_specs=[
        pl.BlockSpec((BLK, HIDDEN), lambda i: (i, 0)),
        pl.BlockSpec((BLK, HIDDEN), lambda i: (i, 0)),
        pl.BlockSpec((HIDDEN, HIDDEN), lambda i: (0, 0)),
        pl.BlockSpec((HIDDEN, HIDDEN), lambda i: (0, 0)),
    ],
    out_specs=pl.BlockSpec((BLK, HIDDEN), lambda i: (i, 0)),
    out_shape=jax.ShapeDtypeStruct((N_NODES, HIDDEN), jnp.float32),
)


def _mmb_body(z_ref, d0_ref, d1_ref, zs_ref, dinv_ref):
    dsum = (jnp.sum(d0_ref[...], axis=1, keepdims=True)
            + jnp.sum(d1_ref[...], axis=1, keepdims=True)) * (1.0 / DEG_W) + 1.0
    dinv = lax.rsqrt(dsum)
    dinv_ref[...] = dinv
    zs_ref[...] = z_ref[...] * dinv


_mmb_kernel = pl.pallas_call(
    _mmb_body,
    grid=(N_NODES // BLK,),
    in_specs=[
        pl.BlockSpec((BLK, HIDDEN), lambda i: (i, 0)),
        pl.BlockSpec((BLK, DEG_W), lambda i: (i, 0)),
        pl.BlockSpec((BLK, DEG_W), lambda i: (i, 0)),
    ],
    out_specs=[
        pl.BlockSpec((BLK, HIDDEN), lambda i: (i, 0)),
        pl.BlockSpec((BLK, 1), lambda i: (i, 0)),
    ],
    out_shape=[
        jax.ShapeDtypeStruct((N_NODES, HIDDEN), jnp.float32),
        jax.ShapeDtypeStruct((N_NODES, 1), jnp.float32),
    ],
)


def _fin_body(a_ref, zs_ref, dinv_ref, b_ref, o_ref):
    o_ref[...] = ((a_ref[0] + a_ref[1] - zs_ref[...]) * dinv_ref[...]
                  + b_ref[...])


_fin_kernel = pl.pallas_call(
    _fin_body,
    grid=(N_NODES // BLK,),
    in_specs=[
        pl.BlockSpec((NC, BLK, HIDDEN), lambda i: (0, i, 0)),
        pl.BlockSpec((BLK, HIDDEN), lambda i: (i, 0)),
        pl.BlockSpec((BLK, 1), lambda i: (i, 0)),
        pl.BlockSpec((1, HIDDEN), lambda i: (0, 0)),
    ],
    out_specs=pl.BlockSpec((BLK, HIDDEN), lambda i: (i, 0)),
    out_shape=jax.ShapeDtypeStruct((N_NODES, HIDDEN), jnp.float32),
)


def kernel(X, H, edge_index, Wu, bu, Ww, bw):
    ei = edge_index.astype(jnp.int32)
    src = ei[0].reshape(NC, NS, NB, B)
    dst = ei[1].reshape(NC, NS, NB, B)
    z = _mma_kernel(X, H, Wu, Ww)
    ones_c = jnp.ones((B, DEG_W), jnp.float32)
    zeros_c = jnp.zeros((CH, DEG_W), jnp.float32)
    deg = _deg_kernel(dst, ones_c, zeros_c)
    zs, dinv = _mmb_kernel(z, deg[0], deg[1])
    acc = _agg_kernel(zs, src, dst)
    bias = (bu + bw).reshape(1, HIDDEN)
    return _fin_kernel(acc, zs, dinv, bias)

# --- scband reference (transcript-rebuilt; emitter-appended) ---
"""Pipeline reference for scband-wgcn-27324581937614 (READ-ONLY COPY).

The authoritative reference and input builder live on the scoring server;
editing this copy changes nothing except your own understanding.
"""

import jax, jax.numpy as jnp
import numpy as np

N_NODES = 10000
N_EDGES = 320000
HIDDEN = 128


def gcn_conv(x, edge_index, W, b, num_nodes):
    # Faithful PyG GCNConv (normalize=True, add_self_loops=True, bias=True):
    #   out = D^{-1/2} (A + I) D^{-1/2} (x @ W) + b
    src = edge_index[0]
    dst = edge_index[1]
    loop = jnp.arange(num_nodes, dtype=edge_index.dtype)
    src = jnp.concatenate([src, loop])
    dst = jnp.concatenate([dst, loop])
    ones = jnp.ones(src.shape[0], dtype=x.dtype)
    deg = jnp.zeros((num_nodes,), dtype=x.dtype).at[dst].add(ones)
    deg_inv_sqrt = jnp.where(deg > 0, 1.0 / jnp.sqrt(deg), 0.0)
    norm = deg_inv_sqrt[src] * deg_inv_sqrt[dst]
    xw = x @ W
    msg = xw[src] * norm[:, None]
    out = jnp.zeros((num_nodes, W.shape[1]), dtype=x.dtype).at[dst].add(msg)
    return out + b


def setup_inputs(seed: int = 0) -> dict:
    key = jax.random.key(seed)
    k1, k2, k3, k4, k5 = jax.random.split(key, 5)
    X = jax.random.normal(k1, (N_NODES, HIDDEN), dtype=jnp.float32)
    H = jax.random.normal(k2, (N_NODES, HIDDEN), dtype=jnp.float32)
    edge_index = jax.random.randint(k3, (2, N_EDGES), 0, N_NODES, dtype=jnp.int64)
    scale = 1.0 / np.sqrt(HIDDEN)
    Wu = jax.random.normal(k4, (HIDDEN, HIDDEN), dtype=jnp.float32) * scale
    bu = jnp.zeros((HIDDEN,), dtype=jnp.float32)
    Ww = jax.random.normal(k5, (HIDDEN, HIDDEN), dtype=jnp.float32) * scale
    bw = jnp.zeros((HIDDEN,), dtype=jnp.float32)
    return {"X": X, "H": H, "edge_index": edge_index, "Wu": Wu, "bu": bu, "Ww": Ww, "bw": bw}


def reference(X, H, edge_index, Wu, bu, Ww, bw):
    # WGCN.forward: H_out = u(X, edge_index) + w(H, edge_index)  (no activation applied)
    hu = gcn_conv(X, edge_index, Wu, bu, N_NODES)
    hw = gcn_conv(H, edge_index, Ww, bw, N_NODES)
    return hu + hw

if __name__ == "__main__":
    import jax
    _d = setup_inputs()
    print(jax.jit(kernel)(*tuple(_d.values())))

</pallas_src>

<mosaic_0001>
#map = affine_map<(d0, d1) -> (0, 0)>
#map1 = affine_map<(d0, d1) -> (0, 0, 0, 0)>
#map2 = affine_map<(d0, d1) -> (0, 0, 0)>
module attributes {stable_mosaic.version = 14 : i64} {
  func.func @_agg_body(%arg0: i32, %arg1: i32, %arg2: memref<10000x128xf32, #tpu.memory_space<hbm>>, %arg3: memref<2x16x250x40xi32, #tpu.memory_space<hbm>>, %arg4: memref<2x16x250x40xi32, #tpu.memory_space<hbm>>, %arg5: memref<2x10000x128xf32, #tpu.memory_space<hbm>>, %arg6: memref<250x40xi32, #tpu.memory_space<vmem>>, %arg7: memref<250x40xi32, #tpu.memory_space<vmem>>, %arg8: memref<40x128xf32, #tpu.memory_space<vmem>>, %arg9: memref<40x128xf32, #tpu.memory_space<vmem>>, %arg10: memref<40x128xf32, #tpu.memory_space<vmem>>, %arg11: memref<40x128xf32, #tpu.memory_space<vmem>>, %arg12: memref<40x128xf32, #tpu.memory_space<vmem>>, %arg13: memref<40x128xf32, #tpu.memory_space<vmem>>, %arg14: memref<!tpu.dma_semaphore, #tpu.memory_space<semaphore_mem>>, %arg15: memref<!tpu.dma_semaphore, #tpu.memory_space<semaphore_mem>>, %arg16: memref<!tpu.dma_semaphore, #tpu.memory_space<semaphore_mem>>, %arg17: memref<!tpu.dma_semaphore, #tpu.memory_space<semaphore_mem>>, %arg18: memref<!tpu.dma_semaphore, #tpu.memory_space<semaphore_mem>>, %arg19: memref<!tpu.dma_semaphore, #tpu.memory_space<semaphore_mem>>, %arg20: memref<10000x128xf32, #tpu.memory_space<vmem_shared>>) attributes {dimension_semantics = [#tpu.dimension_semantics<core_parallel>, #tpu.dimension_semantics<subcore_parallel>], iteration_bounds = array<i64: 2, 16>, scalar_prefetch = 0 : i64, scratch_operands = 15 : i64, tpu.core_type = #tpu.core_type<sc_vector_subcore>, window_params = [{transform_indices = #map}, {transform_indices = #map1}, {transform_indices = #map1}, {transform_indices = #map2}]} {
    "tpu.region"() ({
      %run_scoped3A_84 = tpu.sem_alloc : memref<!tpu.dma_semaphore, #tpu.memory_space<semaphore_mem>>
      %dma_start3A_85 = arith.constant 0 : i32
      %dma_start3A_86 = arith.constant 0 : i32
      %dma_start3A_87 = tpu.memref_slice %arg3[%arg0, %arg1, %dma_start3A_85, %dma_start3A_86] : memref<2x16x250x40xi32, #tpu.memory_space<hbm>> -> memref<1x1x250x40xi32, #tpu.memory_space<hbm>>
      %dma_start3A_88 = tpu.memref_squeeze %dma_start3A_87 : memref<1x1x250x40xi32, #tpu.memory_space<hbm>> -> memref<250x40xi32, #tpu.memory_space<hbm>>
      %dma_start3A_89 = arith.constant 0 : i32
      %dma_start3A_90 = arith.constant 0 : i32
      %dma_start3A_91 = tpu.memref_slice %arg3[%arg0, %arg1, %dma_start3A_89, %dma_start3A_90] : memref<2x16x250x40xi32, #tpu.memory_space<hbm>> -> memref<1x1x250x40xi32, #tpu.memory_space<hbm>>
      %dma_start3A_92 = tpu.memref_squeeze %dma_start3A_91 : memref<1x1x250x40xi32, #tpu.memory_space<hbm>> -> memref<250x40xi32, #tpu.memory_space<hbm>>
      tpu.enqueue_dma source(%dma_start3A_92 : memref<250x40xi32, #tpu.memory_space<hbm>>) target(%arg6 : memref<250x40xi32, #tpu.memory_space<vmem>>) target_semaphore(%run_scoped3A_84 : memref<!tpu.dma_semaphore, #tpu.memory_space<semaphore_mem>>)
      %dma_wait3A_93 = arith.constant 0 : i32
      %dma_wait3A_94 = arith.constant 0 : i32
      %dma_wait3A_95 = tpu.memref_slice %arg3[%arg0, %arg1, %dma_wait3A_93, %dma_wait3A_94] : memref<2x16x250x40xi32, #tpu.memory_space<hbm>> -> memref<1x1x250x40xi32, #tpu.memory_space<hbm>>
      %dma_wait3A_96 = tpu.memref_squeeze %dma_wait3A_95 : memref<1x1x250x40xi32, #tpu.memory_space<hbm>> -> memref<250x40xi32, #tpu.memory_space<hbm>>
      %dma_wait3A_97 = arith.constant 0 : i32
      %dma_wait3A_98 = arith.constant 0 : i32
      %dma_wait3A_99 = tpu.memref_slice %arg3[%arg0, %arg1, %dma_wait3A_97, %dma_wait3A_98] : memref<2x16x250x40xi32, #tpu.memory_space<hbm>> -> memref<1x1x250x40xi32, #tpu.memory_space<hbm>>
      %dma_wait3A_100 = tpu.memref_squeeze %dma_wait3A_99 : memref<1x1x250x40xi32, #tpu.memory_space<hbm>> -> memref<250x40xi32, #tpu.memory_space<hbm>>
      tpu.wait_dma2 semaphore(%run_scoped3A_84 : memref<!tpu.dma_semaphore, #tpu.memory_space<semaphore_mem>>) src(%dma_wait3A_100 : memref<250x40xi32, #tpu.memory_space<hbm>>) dst(%arg6 : memref<250x40xi32, #tpu.memory_space<vmem>>)
      tpu.yield
    }) : () -> ()
    "tpu.region"() ({
      %run_scoped3A_84 = tpu.sem_alloc : memref<!tpu.dma_semaphore, #tpu.memory_space<semaphore_mem>>
      %dma_start3A_85 = arith.constant 0 : i32
      %dma_start3A_86 = arith.constant 0 : i32
      %dma_start3A_87 = tpu.memref_slice %arg4[%arg0, %arg1, %dma_start3A_85, %dma_start3A_86] : memref<2x16x250x40xi32, #tpu.memory_space<hbm>> -> memref<1x1x250x40xi32, #tpu.memory_space<hbm>>
      %dma_start3A_88 = tpu.memref_squeeze %dma_start3A_87 : memref<1x1x250x40xi32, #tpu.memory_space<hbm>> -> memref<250x40xi32, #tpu.memory_space<hbm>>
      %dma_start3A_89 = arith.constant 0 : i32
      %dma_start3A_90 = arith.constant 0 : i32
      %dma_start3A_91 = tpu.memref_slice %arg4[%arg0, %arg1, %dma_start3A_89, %dma_start3A_90] : memref<2x16x250x40xi32, #tpu.memory_space<hbm>> -> memref<1x1x250x40xi32, #tpu.memory_space<hbm>>
      %dma_start3A_92 = tpu.memref_squeeze %dma_start3A_91 : memref<1x1x250x40xi32, #tpu.memory_space<hbm>> -> memref<250x40xi32, #tpu.memory_space<hbm>>
      tpu.enqueue_dma source(%dma_start3A_92 : memref<250x40xi32, #tpu.memory_space<hbm>>) target(%arg7 : memref<250x40xi32, #tpu.memory_space<vmem>>) target_semaphore(%run_scoped3A_84 : memref<!tpu.dma_semaphore, #tpu.memory_space<semaphore_mem>>)
      %dma_wait3A_93 = arith.constant 0 : i32
      %dma_wait3A_94 = arith.constant 0 : i32
      %dma_wait3A_95 = tpu.memref_slice %arg4[%arg0, %arg1, %dma_wait3A_93, %dma_wait3A_94] : memref<2x16x250x40xi32, #tpu.memory_space<hbm>> -> memref<1x1x250x40xi32, #tpu.memory_space<hbm>>
      %dma_wait3A_96 = tpu.memref_squeeze %dma_wait3A_95 : memref<1x1x250x40xi32, #tpu.memory_space<hbm>> -> memref<250x40xi32, #tpu.memory_space<hbm>>
      %dma_wait3A_97 = arith.constant 0 : i32
      %dma_wait3A_98 = arith.constant 0 : i32
      %dma_wait3A_99 = tpu.memref_slice %arg4[%arg0, %arg1, %dma_wait3A_97, %dma_wait3A_98] : memref<2x16x250x40xi32, #tpu.memory_space<hbm>> -> memref<1x1x250x40xi32, #tpu.memory_space<hbm>>
      %dma_wait3A_100 = tpu.memref_squeeze %dma_wait3A_99 : memref<1x1x250x40xi32, #tpu.memory_space<hbm>> -> memref<250x40xi32, #tpu.memory_space<hbm>>
      tpu.wait_dma2 semaphore(%run_scoped3A_84 : memref<!tpu.dma_semaphore, #tpu.memory_space<semaphore_mem>>) src(%dma_wait3A_100 : memref<250x40xi32, #tpu.memory_space<hbm>>) dst(%arg7 : memref<250x40xi32, #tpu.memory_space<vmem>>)
      tpu.yield
    }) : () -> ()
    %lt3A = arith.constant 10 : i32
    %lt3A_0 = arith.cmpi slt, %arg1, %lt3A : i32
    %convert_element_type3A = arith.extui %lt3A_0 : i1 to i32
    %cond3A = arith.constant 0 : i32
    %cond3A_1 = arith.cmpi ne, %convert_element_type3A, %cond3A : i32
    scf.if %cond3A_1 {
      %mul3A = arith.constant 1000 : i32
      %mul3A_84 = arith.muli %arg1, %mul3A : i32
      %mul3A_85 = arith.constant 1000 : i32
      %mul3A_86 = arith.muli %arg1, %mul3A_85 : i32
      "tpu.region"() ({
        %run_scoped3A_87 = tpu.sem_alloc : memref<!tpu.dma_semaphore, #tpu.memory_space<semaphore_mem>>
        %dma_start3A_88 = arith.constant 0 : i32
        %dma_start3A_89 = tpu.memref_slice %arg20[%mul3A_86, %dma_start3A_88] : memref<10000x128xf32, #tpu.memory_space<vmem_shared>> -> memref<1000x128xf32, #tpu.memory_space<vmem_shared>>
        %dma_start3A_90 = arith.constant 0 : i32
        %dma_start3A_91 = tpu.memref_slice %arg2[%mul3A_84, %dma_start3A_90] : memref<10000x128xf32, #tpu.memory_space<hbm>> -> memref<1000x128xf32, #tpu.memory_space<hbm>>
        tpu.enqueue_dma source(%dma_start3A_91 : memref<1000x128xf32, #tpu.memory_space<hbm>>) target(%dma_start3A_89 : memref<1000x128xf32, #tpu.memory_space<vmem_shared>>) target_semaphore(%run_scoped3A_87 : memref<!tpu.dma_semaphore, #tpu.memory_space<semaphore_mem>>)
        %dma_wait3A_92 = arith.constant 0 : i32
        %dma_wait3A_93 = tpu.memref_slice %arg20[%mul3A_86, %dma_wait3A_92] : memref<10000x128xf32, #tpu.memory_space<vmem_shared>> -> memref<1000x128xf32, #tpu.memory_space<vmem_shared>>
        %dma_wait3A_94 = arith.constant 0 : i32
        %dma_wait3A_95 = tpu.memref_slice %arg2[%mul3A_84, %dma_wait3A_94] : memref<10000x128xf32, #tpu.memory_space<hbm>> -> memref<1000x128xf32, #tpu.memory_space<hbm>>
        tpu.wait_dma2 semaphore(%run_scoped3A_87 : memref<!tpu.dma_semaphore, #tpu.memory_space<semaphore_mem>>) src(%dma_wait3A_95 : memref<1000x128xf32, #tpu.memory_space<hbm>>) dst(%dma_wait3A_93 : memref<1000x128xf32, #tpu.memory_space<vmem_shared>>)
        tpu.yield
      }) : () -> ()
    } else {
    }
    %barrier3A = arith.constant 0 : index
    tpu.barrier barrier_id(%barrier3A)
    %dma_start3A = arith.constant 0 : i32
    %dma_start3A_2 = arith.constant 0 : i32
    %dma_start3A_3 = tpu.memref_slice %arg6[%dma_start3A, %dma_start3A_2] : memref<250x40xi32, #tpu.memory_space<vmem>> -> memref<1x40xi32, #tpu.memory_space<vmem>>
    %dma_start3A_4 = tpu.memref_squeeze %dma_start3A_3 : memref<1x40xi32, #tpu.memory_space<vmem>> -> memref<40xi32, #tpu.memory_space<vmem>>
    %dma_start3A_5 = arith.constant 0 : i32
    %dma_start3A_6 = arith.constant 0 : i32
    %dma_start3A_7 = tpu.memref_slice %arg2[%dma_start3A_5, %dma_start3A_6] : memref<10000x128xf32, #tpu.memory_space<hbm>> -> memref<10000x128xf32, #tpu.memory_space<hbm>>
    tpu.enqueue_indirect_dma source(%dma_start3A_7 : memref<10000x128xf32, #tpu.memory_space<hbm>>) target(%arg8 : memref<40x128xf32, #tpu.memory_space<vmem>>) offsets(%dma_start3A_4 : memref<40xi32, #tpu.memory_space<vmem>>) semaphore(%arg14 : memref<!tpu.dma_semaphore, #tpu.memory_space<semaphore_mem>>)
    %dma_start3A_8 = arith.constant 1 : i32
    %dma_start3A_9 = arith.constant 0 : i32
    %dma_start3A_10 = tpu.memref_slice %arg6[%dma_start3A_8, %dma_start3A_9] : memref<250x40xi32, #tpu.memory_space<vmem>> -> memref<1x40xi32, #tpu.memory_space<vmem>>
    %dma_start3A_11 = tpu.memref_squeeze %dma_start3A_10 : memref<1x40xi32, #tpu.memory_space<vmem>> -> memref<40xi32, #tpu.memory_space<vmem>>
    %dma_start3A_12 = arith.constant 0 : i32
    %dma_start3A_13 = arith.constant 0 : i32
    %dma_start3A_14 = tpu.memref_slice %arg2[%dma_start3A_12, %dma_start3A_13] : memref<10000x128xf32, #tpu.memory_space<hbm>> -> memref<10000x128xf32, #tpu.memory_space<hbm>>
    tpu.enqueue_indirect_dma source(%dma_start3A_14 : memref<10000x128xf32, #tpu.memory_space<hbm>>) target(%arg9 : memref<40x128xf32, #tpu.memory_space<vmem>>) offsets(%dma_start3A_11 : memref<40xi32, #tpu.memory_space<vmem>>) semaphore(%arg15 : memref<!tpu.dma_semaphore, #tpu.memory_space<semaphore_mem>>)
    %dma_start3A_15 = arith.constant 2 : i32
    %dma_start3A_16 = arith.constant 0 : i32
    %dma_start3A_17 = tpu.memref_slice %arg6[%dma_start3A_15, %dma_start3A_16] : memref<250x40xi32, #tpu.memory_space<vmem>> -> memref<1x40xi32, #tpu.memory_space<vmem>>
    %dma_start3A_18 = tpu.memref_squeeze %dma_start3A_17 : memref<1x40xi32, #tpu.memory_space<vmem>> -> memref<40xi32, #tpu.memory_space<vmem>>
    %dma_start3A_19 = arith.constant 0 : i32
    %dma_start3A_20 = arith.constant 0 : i32
    %dma_start3A_21 = tpu.memref_slice %arg2[%dma_start3A_19, %dma_start3A_20] : memref<10000x128xf32, #tpu.memory_space<hbm>> -> memref<10000x128xf32, #tpu.memory_space<hbm>>
    tpu.enqueue_indirect_dma source(%dma_start3A_21 : memref<10000x128xf32, #tpu.memory_space<hbm>>) target(%arg10 : memref<40x128xf32, #tpu.memory_space<vmem>>) offsets(%dma_start3A_18 : memref<40xi32, #tpu.memory_space<vmem>>) semaphore(%arg16 : memref<!tpu.dma_semaphore, #tpu.memory_space<semaphore_mem>>)
    %dma_start3A_22 = arith.constant 3 : i32
    %dma_start3A_23 = arith.constant 0 : i32
    %dma_start3A_24 = tpu.memref_slice %arg6[%dma_start3A_22, %dma_start3A_23] : memref<250x40xi32, #tpu.memory_space<vmem>> -> memref<1x40xi32, #tpu.memory_space<vmem>>
    %dma_start3A_25 = tpu.memref_squeeze %dma_start3A_24 : memref<1x40xi32, #tpu.memory_space<vmem>> -> memref<40xi32, #tpu.memory_space<vmem>>
    %dma_start3A_26 = arith.constant 0 : i32
    %dma_start3A_27 = arith.constant 0 : i32
    %dma_start3A_28 = tpu.memref_slice %arg2[%dma_start3A_26, %dma_start3A_27] : memref<10000x128xf32, #tpu.memory_space<hbm>> -> memref<10000x128xf32, #tpu.memory_space<hbm>>
    tpu.enqueue_indirect_dma source(%dma_start3A_28 : memref<10000x128xf32, #tpu.memory_space<hbm>>) target(%arg11 : memref<40x128xf32, #tpu.memory_space<vmem>>) offsets(%dma_start3A_25 : memref<40xi32, #tpu.memory_space<vmem>>) semaphore(%arg17 : memref<!tpu.dma_semaphore, #tpu.memory_space<semaphore_mem>>)
    %dma_start3A_29 = arith.constant 4 : i32
    %dma_start3A_30 = arith.constant 0 : i32
    %dma_start3A_31 = tpu.memref_slice %arg6[%dma_start3A_29, %dma_start3A_30] : memref<250x40xi32, #tpu.memory_space<vmem>> -> memref<1x40xi32, #tpu.memory_space<vmem>>
    %dma_start3A_32 = tpu.memref_squeeze %dma_start3A_31 : memref<1x40xi32, #tpu.memory_space<vmem>> -> memref<40xi32, #tpu.memory_space<vmem>>
    %dma_start3A_33 = arith.constant 0 : i32
    %dma_start3A_34 = arith.constant 0 : i32
    %dma_start3A_35 = tpu.memref_slice %arg2[%dma_start3A_33, %dma_start3A_34] : memref<10000x128xf32, #tpu.memory_space<hbm>> -> memref<10000x128xf32, #tpu.memory_space<hbm>>
    tpu.enqueue_indirect_dma source(%dma_start3A_35 : memref<10000x128xf32, #tpu.memory_space<hbm>>) target(%arg12 : memref<40x128xf32, #tpu.memory_space<vmem>>) offsets(%dma_start3A_32 : memref<40xi32, #tpu.memory_space<vmem>>) semaphore(%arg18 : memref<!tpu.dma_semaphore, #tpu.memory_space<semaphore_mem>>)
    %dma_start3A_36 = arith.constant 5 : i32
    %dma_start3A_37 = arith.constant 0 : i32
    %dma_start3A_38 = tpu.memref_slice %arg6[%dma_start3A_36, %dma_start3A_37] : memref<250x40xi32, #tpu.memory_space<vmem>> -> memref<1x40xi32, #tpu.memory_space<vmem>>
    %dma_start3A_39 = tpu.memref_squeeze %dma_start3A_38 : memref<1x40xi32, #tpu.memory_space<vmem>> -> memref<40xi32, #tpu.memory_space<vmem>>
    %dma_start3A_40 = arith.constant 0 : i32
    %dma_start3A_41 = arith.constant 0 : i32
    %dma_start3A_42 = tpu.memref_slice %arg2[%dma_start3A_40, %dma_start3A_41] : memref<10000x128xf32, #tpu.memory_space<hbm>> -> memref<10000x128xf32, #tpu.memory_space<hbm>>
    tpu.enqueue_indirect_dma source(%dma_start3A_42 : memref<10000x128xf32, #tpu.memory_space<hbm>>) target(%arg13 : memref<40x128xf32, #tpu.memory_space<vmem>>) offsets(%dma_start3A_39 : memref<40xi32, #tpu.memory_space<vmem>>) semaphore(%arg19 : memref<!tpu.dma_semaphore, #tpu.memory_space<semaphore_mem>>)
    %scan3A = arith.constant 0 : i32
    %scan3A_43 = arith.constant 0 : i32
    %scan3A_44 = arith.constant 41 : i32
    %scan3A_45 = arith.addi %scan3A_43, %scan3A_44 : i32
    %scan3A_46 = arith.constant 1 : i32
    scf.for %scan3A_84 = %scan3A_43 to %scan3A_45 step %scan3A_46  : i32 {
      %mul3A = arith.constant 6 : i32
      %mul3A_85 = arith.muli %mul3A, %scan3A_84 : i32
      %add3A = arith.constant 0 : i32
      %add3A_86 = arith.addi %mul3A_85, %add3A : i32
      %dma_wait3A_87 = arith.constant 0 : i32
      %dma_wait3A_88 = tpu.memref_slice %arg6[%add3A_86, %dma_wait3A_87] : memref<250x40xi32, #tpu.memory_space<vmem>> -> memref<1x40xi32, #tpu.memory_space<vmem>>
      %dma_wait3A_89 = tpu.memref_squeeze %dma_wait3A_88 : memref<1x40xi32, #tpu.memory_space<vmem>> -> memref<40xi32, #tpu.memory_space<vmem>>
      %dma_wait3A_90 = arith.constant 0 : i32
      %dma_wait3A_91 = arith.constant 0 : i32
      %dma_wait3A_92 = tpu.memref_slice %arg2[%dma_wait3A_90, %dma_wait3A_91] : memref<10000x128xf32, #tpu.memory_space<hbm>> -> memref<10000x128xf32, #tpu.memory_space<hbm>>
      tpu.wait_indirect_dma semaphore(%arg14 : memref<!tpu.dma_semaphore, #tpu.memory_space<semaphore_mem>>) src(%dma_wait3A_92 : memref<10000x128xf32, #tpu.memory_space<hbm>>) dst(%arg8 : memref<40x128xf32, #tpu.memory_space<vmem>>)
      "tpu.region"() ({
        %run_scoped3A_185 = tpu.sem_alloc : memref<!tpu.dma_semaphore, #tpu.memory_space<semaphore_mem>>
        %dma_start3A_186 = arith.constant 0 : i32
        %dma_start3A_187 = tpu.memref_slice %arg7[%add3A_86, %dma_start3A_186] : memref<250x40xi32, #tpu.memory_space<vmem>> -> memref<1x40xi32, #tpu.memory_space<vmem>>
        %dma_start3A_188 = tpu.memref_squeeze %dma_start3A_187 : memref<1x40xi32, #tpu.memory_space<vmem>> -> memref<40xi32, #tpu.memory_space<vmem>>
        %dma_start3A_189 = arith.constant 0 : i32
        %dma_start3A_190 = arith.constant 0 : i32
        %dma_start3A_191 = tpu.memref_slice %arg20[%dma_start3A_189, %dma_start3A_190] : memref<10000x128xf32, #tpu.memory_space<vmem_shared>> -> memref<10000x128xf32, #tpu.memory_space<vmem_shared>>
        tpu.enqueue_indirect_dma source(%arg8 : memref<40x128xf32, #tpu.memory_space<vmem>>) target(%dma_start3A_191 : memref<10000x128xf32, #tpu.memory_space<vmem_shared>>) offsets(%dma_start3A_188 : memref<40xi32, #tpu.memory_space<vmem>>) semaphore(%run_scoped3A_185 : memref<!tpu.dma_semaphore, #tpu.memory_space<semaphore_mem>>) {add = true}
        %dma_wait3A_192 = arith.constant 0 : i32
        %dma_wait3A_193 = tpu.memref_slice %arg7[%add3A_86, %dma_wait3A_192] : memref<250x40xi32, #tpu.memory_space<vmem>> -> memref<1x40xi32, #tpu.memory_space<vmem>>
        %dma_wait3A_194 = tpu.memref_squeeze %dma_wait3A_193 : memref<1x40xi32, #tpu.memory_space<vmem>> -> memref<40xi32, #tpu.memory_space<vmem>>
        %dma_wait3A_195 = arith.constant 0 : i32
        %dma_wait3A_196 = arith.constant 0 : i32
        %dma_wait3A_197 = tpu.memref_slice %arg20[%dma_wait3A_195, %dma_wait3A_196] : memref<10000x128xf32, #tpu.memory_space<vmem_shared>> -> memref<10000x128xf32, #tpu.memory_space<vmem_shared>>
        tpu.wait_indirect_dma semaphore(%run_scoped3A_185 : memref<!tpu.dma_semaphore, #tpu.memory_space<semaphore_mem>>) src(%arg8 : memref<40x128xf32, #tpu.memory_space<vmem>>) dst(%dma_wait3A_197 : memref<10000x128xf32, #tpu.memory_space<vmem_shared>>)
        tpu.yield
      }) : () -> ()
      %add3A_93 = arith.constant 6 : i32
      %add3A_94 = arith.addi %add3A_86, %add3A_93 : i32
      %lt3A_95 = arith.constant 250 : i32
      %lt3A_96 = arith.cmpi slt, %add3A_94, %lt3A_95 : i32
      %convert_element_type3A_97 = arith.extui %lt3A_96 : i1 to i32
      %cond3A_98 = arith.constant 0 : i32
      %cond3A_99 = arith.cmpi ne, %convert_element_type3A_97, %cond3A_98 : i32
      scf.if %cond3A_99 {
        %add3A_185 = arith.constant 6 : i32
        %add3A_186 = arith.addi %add3A_86, %add3A_185 : i32
        %dma_start3A_187 = arith.constant 0 : i32
        %dma_start3A_188 = tpu.memref_slice %arg6[%add3A_186, %dma_start3A_187] : memref<250x40xi32, #tpu.memory_space<vmem>> -> memref<1x40xi32, #tpu.memory_space<vmem>>
        %dma_start3A_189 = tpu.memref_squeeze %dma_start3A_188 : memref<1x40xi32, #tpu.memory_space<vmem>> -> memref<40xi32, #tpu.memory_space<vmem>>
        %dma_start3A_190 = arith.constant 0 : i32
        %dma_start3A_191 = arith.constant 0 : i32
        %dma_start3A_192 = tpu.memref_slice %arg2[%dma_start3A_190, %dma_start3A_191] : memref<10000x128xf32, #tpu.memory_space<hbm>> -> memref<10000x128xf32, #tpu.memory_space<hbm>>
        tpu.enqueue_indirect_dma source(%dma_start3A_192 : memref<10000x128xf32, #tpu.memory_space<hbm>>) target(%arg8 : memref<40x128xf32, #tpu.memory_space<vmem>>) offsets(%dma_start3A_189 : memref<40xi32, #tpu.memory_space<vmem>>) semaphore(%arg14 : memref<!tpu.dma_semaphore, #tpu.memory_space<semaphore_mem>>)
      } else {
      }
      %mul3A_100 = arith.constant 6 : i32
      %mul3A_101 = arith.muli %mul3A_100, %scan3A_84 : i32
      %add3A_102 = arith.constant 1 : i32
      %add3A_103 = arith.addi %mul3A_101, %add3A_102 : i32
      %dma_wait3A_104 = arith.constant 0 : i32
      %dma_wait3A_105 = tpu.memref_slice %arg6[%add3A_103, %dma_wait3A_104] : memref<250x40xi32, #tpu.memory_space<vmem>> -> memref<1x40xi32, #tpu.memory_space<vmem>>
      %dma_wait3A_106 = tpu.memref_squeeze %dma_wait3A_105 : memref<1x40xi32, #tpu.memory_space<vmem>> -> memref<40xi32, #tpu.memory_space<vmem>>
      %dma_wait3A_107 = arith.constant 0 : i32
      %dma_wait3A_108 = arith.constant 0 : i32
      %dma_wait3A_109 = tpu.memref_slice %arg2[%dma_wait3A_107, %dma_wait3A_108] : memref<10000x128xf32, #tpu.memory_space<hbm>> -> memref<10000x128xf32, #tpu.memory_space<hbm>>
      tpu.wait_indirect_dma semaphore(%arg15 : memref<!tpu.dma_semaphore, #tpu.memory_space<semaphore_mem>>) src(%dma_wait3A_109 : memref<10000x128xf32, #tpu.memory_space<hbm>>) dst(%arg9 : memref<40x128xf32, #tpu.memory_space<vmem>>)
      "tpu.region"() ({
        %run_scoped3A_185 = tpu.sem_alloc : memref<!tpu.dma_semaphore, #tpu.memory_space<semaphore_mem>>
        %dma_start3A_186 = arith.constant 0 : i32
        %dma_start3A_187 = tpu.memref_slice %arg7[%add3A_103, %dma_start3A_186] : memref<250x40xi32, #tpu.memory_space<vmem>> -> memref<1x40xi32, #tpu.memory_space<vmem>>
        %dma_start3A_188 = tpu.memref_squeeze %dma_start3A_187 : memref<1x40xi32, #tpu.memory_space<vmem>> -> memref<40xi32, #tpu.memory_space<vmem>>
        %dma_start3A_189 = arith.constant 0 : i32
        %dma_start3A_190 = arith.constant 0 : i32
        %dma_start3A_191 = tpu.memref_slice %arg20[%dma_start3A_189, %dma_start3A_190] : memref<10000x128xf32, #tpu.memory_space<vmem_shared>> -> memref<10000x128xf32, #tpu.memory_space<vmem_shared>>
        tpu.enqueue_indirect_dma source(%arg9 : memref<40x128xf32, #tpu.memory_space<vmem>>) target(%dma_start3A_191 : memref<10000x128xf32, #tpu.memory_space<vmem_shared>>) offsets(%dma_start3A_188 : memref<40xi32, #tpu.memory_space<vmem>>) semaphore(%run_scoped3A_185 : memref<!tpu.dma_semaphore, #tpu.memory_space<semaphore_mem>>) {add = true}
        %dma_wait3A_192 = arith.constant 0 : i32
        %dma_wait3A_193 = tpu.memref_slice %arg7[%add3A_103, %dma_wait3A_192] : memref<250x40xi32, #tpu.memory_space<vmem>> -> memref<1x40xi32, #tpu.memory_space<vmem>>
        %dma_wait3A_194 = tpu.memref_squeeze %dma_wait3A_193 : memref<1x40xi32, #tpu.memory_space<vmem>> -> memref<40xi32, #tpu.memory_space<vmem>>
        %dma_wait3A_195 = arith.constant 0 : i32
        %dma_wait3A_196 = arith.constant 0 : i32
        %dma_wait3A_197 = tpu.memref_slice %arg20[%dma_wait3A_195, %dma_wait3A_196] : memref<10000x128xf32, #tpu.memory_space<vmem_shared>> -> memref<10000x128xf32, #tpu.memory_space<vmem_shared>>
        tpu.wait_indirect_dma semaphore(%run_scoped3A_185 : memref<!tpu.dma_semaphore, #tpu.memory_space<semaphore_mem>>) src(%arg9 : memref<40x128xf32, #tpu.memory_space<vmem>>) dst(%dma_wait3A_197 : memref<10000x128xf32, #tpu.memory_space<vmem_shared>>)
        tpu.yield
      }) : () -> ()
      %add3A_110 = arith.constant 6 : i32
      %add3A_111 = arith.addi %add3A_103, %add3A_110 : i32
      %lt3A_112 = arith.constant 250 : i32
      %lt3A_113 = arith.cmpi slt, %add3A_111, %lt3A_112 : i32
      %convert_element_type3A_114 = arith.extui %lt3A_113 : i1 to i32
      %cond3A_115 = arith.constant 0 : i32
      %cond3A_116 = arith.cmpi ne, %convert_element_type3A_114, %cond3A_115 : i32
      scf.if %cond3A_116 {
        %add3A_185 = arith.constant 6 : i32
        %add3A_186 = arith.addi %add3A_103, %add3A_185 : i32
        %dma_start3A_187 = arith.constant 0 : i32
        %dma_start3A_188 = tpu.memref_slice %arg6[%add3A_186, %dma_start3A_187] : memref<250x40xi32, #tpu.memory_space<vmem>> -> memref<1x40xi32, #tpu.memory_space<vmem>>
        %dma_start3A_189 = tpu.memref_squeeze %dma_start3A_188 : memref<1x40xi32, #tpu.memory_space<vmem>> -> memref<40xi32, #tpu.memory_space<vmem>>
        %dma_start3A_190 = arith.constant 0 : i32
        %dma_start3A_191 = arith.constant 0 : i32
        %dma_start3A_192 = tpu.memref_slice %arg2[%dma_start3A_190, %dma_start3A_191] : memref<10000x128xf32, #tpu.memory_space<hbm>> -> memref<10000x128xf32, #tpu.memory_space<hbm>>
        tpu.enqueue_indirect_dma source(%dma_start3A_192 : memref<10000x128xf32, #tpu.memory_space<hbm>>) target(%arg9 : memref<40x128xf32, #tpu.memory_space<vmem>>) offsets(%dma_start3A_189 : memref<40xi32, #tpu.memory_space<vmem>>) semaphore(%arg15 : memref<!tpu.dma_semaphore, #tpu.memory_space<semaphore_mem>>)
      } else {
      }
      %mul3A_117 = arith.constant 6 : i32
      %mul3A_118 = arith.muli %mul3A_117, %scan3A_84 : i32
      %add3A_119 = arith.constant 2 : i32
      %add3A_120 = arith.addi %mul3A_118, %add3A_119 : i32
      %dma_wait3A_121 = arith.constant 0 : i32
      %dma_wait3A_122 = tpu.memref_slice %arg6[%add3A_120, %dma_wait3A_121] : memref<250x40xi32, #tpu.memory_space<vmem>> -> memref<1x40xi32, #tpu.memory_space<vmem>>
      %dma_wait3A_123 = tpu.memref_squeeze %dma_wait3A_122 : memref<1x40xi32, #tpu.memory_space<vmem>> -> memref<40xi32, #tpu.memory_space<vmem>>
      %dma_wait3A_124 = arith.constant 0 : i32
      %dma_wait3A_125 = arith.constant 0 : i32
      %dma_wait3A_126 = tpu.memref_slice %arg2[%dma_wait3A_124, %dma_wait3A_125] : memref<10000x128xf32, #tpu.memory_space<hbm>> -> memref<10000x128xf32, #tpu.memory_space<hbm>>
      tpu.wait_indirect_dma semaphore(%arg16 : memref<!tpu.dma_semaphore, #tpu.memory_space<semaphore_mem>>) src(%dma_wait3A_126 : memref<10000x128xf32, #tpu.memory_space<hbm>>) dst(%arg10 : memref<40x128xf32, #tpu.memory_space<vmem>>)
      "tpu.region"() ({
        %run_scoped3A_185 = tpu.sem_alloc : memref<!tpu.dma_semaphore, #tpu.memory_space<semaphore_mem>>
        %dma_start3A_186 = arith.constant 0 : i32
        %dma_start3A_187 = tpu.memref_slice %arg7[%add3A_120, %dma_start3A_186] : memref<250x40xi32, #tpu.memory_space<vmem>> -> memref<1x40xi32, #tpu.memory_space<vmem>>
        %dma_start3A_188 = tpu.memref_squeeze %dma_start3A_187 : memref<1x40xi32, #tpu.memory_space<vmem>> -> memref<40xi32, #tpu.memory_space<vmem>>
        %dma_start3A_189 = arith.constant 0 : i32
        %dma_start3A_190 = arith.constant 0 : i32
        %dma_start3A_191 = tpu.memref_slice %arg20[%dma_start3A_189, %dma_start3A_190] : memref<10000x128xf32, #tpu.memory_space<vmem_shared>> -> memref<10000x128xf32, #tpu.memory_space<vmem_shared>>
        tpu.enqueue_indirect_dma source(%arg10 : memref<40x128xf32, #tpu.memory_space<vmem>>) target(%dma_start3A_191 : memref<10000x128xf32, #tpu.memory_space<vmem_shared>>) offsets(%dma_start3A_188 : memref<40xi32, #tpu.memory_space<vmem>>) semaphore(%run_scoped3A_185 : memref<!tpu.dma_semaphore, #tpu.memory_space<semaphore_mem>>) {add = true}
        %dma_wait3A_192 = arith.constant 0 : i32
        %dma_wait3A_193 = tpu.memref_slice %arg7[%add3A_120, %dma_wait3A_192] : memref<250x40xi32, #tpu.memory_space<vmem>> -> memref<1x40xi32, #tpu.memory_space<vmem>>
        %dma_wait3A_194 = tpu.memref_squeeze %dma_wait3A_193 : memref<1x40xi32, #tpu.memory_space<vmem>> -> memref<40xi32, #tpu.memory_space<vmem>>
        %dma_wait3A_195 = arith.constant 0 : i32
        %dma_wait3A_196 = arith.constant 0 : i32
        %dma_wait3A_197 = tpu.memref_slice %arg20[%dma_wait3A_195, %dma_wait3A_196] : memref<10000x128xf32, #tpu.memory_space<vmem_shared>> -> memref<10000x128xf32, #tpu.memory_space<vmem_shared>>
        tpu.wait_indirect_dma semaphore(%run_scoped3A_185 : memref<!tpu.dma_semaphore, #tpu.memory_space<semaphore_mem>>) src(%arg10 : memref<40x128xf32, #tpu.memory_space<vmem>>) dst(%dma_wait3A_197 : memref<10000x128xf32, #tpu.memory_space<vmem_shared>>)
        tpu.yield
      }) : () -> ()
      %add3A_127 = arith.constant 6 : i32
      %add3A_128 = arith.addi %add3A_120, %add3A_127 : i32
      %lt3A_129 = arith.constant 250 : i32
      %lt3A_130 = arith.cmpi slt, %add3A_128, %lt3A_129 : i32
      %convert_element_type3A_131 = arith.extui %lt3A_130 : i1 to i32
      %cond3A_132 = arith.constant 0 : i32
      %cond3A_133 = arith.cmpi ne, %convert_element_type3A_131, %cond3A_132 : i32
      scf.if %cond3A_133 {
        %add3A_185 = arith.constant 6 : i32
        %add3A_186 = arith.addi %add3A_120, %add3A_185 : i32
        %dma_start3A_187 = arith.constant 0 : i32
        %dma_start3A_188 = tpu.memref_slice %arg6[%add3A_186, %dma_start3A_187] : memref<250x40xi32, #tpu.memory_space<vmem>> -> memref<1x40xi32, #tpu.memory_space<vmem>>
        %dma_start3A_189 = tpu.memref_squeeze %dma_start3A_188 : memref<1x40xi32, #tpu.memory_space<vmem>> -> memref<40xi32, #tpu.memory_space<vmem>>
        %dma_start3A_190 = arith.constant 0 : i32
        %dma_start3A_191 = arith.constant 0 : i32
        %dma_start3A_192 = tpu.memref_slice %arg2[%dma_start3A_190, %dma_start3A_191] : memref<10000x128xf32, #tpu.memory_space<hbm>> -> memref<10000x128xf32, #tpu.memory_space<hbm>>
        tpu.enqueue_indirect_dma source(%dma_start3A_192 : memref<10000x128xf32, #tpu.memory_space<hbm>>) target(%arg10 : memref<40x128xf32, #tpu.memory_space<vmem>>) offsets(%dma_start3A_189 : memref<40xi32, #tpu.memory_space<vmem>>) semaphore(%arg16 : memref<!tpu.dma_semaphore, #tpu.memory_space<semaphore_mem>>)
      } else {
      }
      %mul3A_134 = arith.constant 6 : i32
      %mul3A_135 = arith.muli %mul3A_134, %scan3A_84 : i32
      %add3A_136 = arith.constant 3 : i32
      %add3A_137 = arith.addi %mul3A_135, %add3A_136 : i32
      %dma_wait3A_138 = arith.constant 0 : i32
      %dma_wait3A_139 = tpu.memref_slice %arg6[%add3A_137, %dma_wait3A_138] : memref<250x40xi32, #tpu.memory_space<vmem>> -> memref<1x40xi32, #tpu.memory_space<vmem>>
      %dma_wait3A_140 = tpu.memref_squeeze %dma_wait3A_139 : memref<1x40xi32, #tpu.memory_space<vmem>> -> memref<40xi32, #tpu.memory_space<vmem>>
      %dma_wait3A_141 = arith.constant 0 : i32
      %dma_wait3A_142 = arith.constant 0 : i32
      %dma_wait3A_143 = tpu.memref_slice %arg2[%dma_wait3A_141, %dma_wait3A_142] : memref<10000x128xf32, #tpu.memory_space<hbm>> -> memref<10000x128xf32, #tpu.memory_space<hbm>>
      tpu.wait_indirect_dma semaphore(%arg17 : memref<!tpu.dma_semaphore, #tpu.memory_space<semaphore_mem>>) src(%dma_wait3A_143 : memref<10000x128xf32, #tpu.memory_space<hbm>>) dst(%arg11 : memref<40x128xf32, #tpu.memory_space<vmem>>)
      "tpu.region"() ({
        %run_scoped3A_185 = tpu.sem_alloc : memref<!tpu.dma_semaphore, #tpu.memory_space<semaphore_mem>>
        %dma_start3A_186 = arith.constant 0 : i32
        %dma_start3A_187 = tpu.memref_slice %arg7[%add3A_137, %dma_start3A_186] : memref<250x40xi32, #tpu.memory_space<vmem>> -> memref<1x40xi32, #tpu.memory_space<vmem>>
        %dma_start3A_188 = tpu.memref_squeeze %dma_start3A_187 : memref<1x40xi32, #tpu.memory_space<vmem>> -> memref<40xi32, #tpu.memory_space<vmem>>
        %dma_start3A_189 = arith.constant 0 : i32
        %dma_start3A_190 = arith.constant 0 : i32
        %dma_start3A_191 = tpu.memref_slice %arg20[%dma_start3A_189, %dma_start3A_190] : memref<10000x128xf32, #tpu.memory_space<vmem_shared>> -> memref<10000x128xf32, #tpu.memory_space<vmem_shared>>
        tpu.enqueue_indirect_dma source(%arg11 : memref<40x128xf32, #tpu.memory_space<vmem>>) target(%dma_start3A_191 : memref<10000x128xf32, #tpu.memory_space<vmem_shared>>) offsets(%dma_start3A_188 : memref<40xi32, #tpu.memory_space<vmem>>) semaphore(%run_scoped3A_185 : memref<!tpu.dma_semaphore, #tpu.memory_space<semaphore_mem>>) {add = true}
        %dma_wait3A_192 = arith.constant 0 : i32
        %dma_wait3A_193 = tpu.memref_slice %arg7[%add3A_137, %dma_wait3A_192] : memref<250x40xi32, #tpu.memory_space<vmem>> -> memref<1x40xi32, #tpu.memory_space<vmem>>
        %dma_wait3A_194 = tpu.memref_squeeze %dma_wait3A_193 : memref<1x40xi32, #tpu.memory_space<vmem>> -> memref<40xi32, #tpu.memory_space<vmem>>
        %dma_wait3A_195 = arith.constant 0 : i32
        %dma_wait3A_196 = arith.constant 0 : i32
        %dma_wait3A_197 = tpu.memref_slice %arg20[%dma_wait3A_195, %dma_wait3A_196] : memref<10000x128xf32, #tpu.memory_space<vmem_shared>> -> memref<10000x128xf32, #tpu.memory_space<vmem_shared>>
        tpu.wait_indirect_dma semaphore(%run_scoped3A_185 : memref<!tpu.dma_semaphore, #tpu.memory_space<semaphore_mem>>) src(%arg11 : memref<40x128xf32, #tpu.memory_space<vmem>>) dst(%dma_wait3A_197 : memref<10000x128xf32, #tpu.memory_space<vmem_shared>>)
        tpu.yield
      }) : () -> ()
      %add3A_144 = arith.constant 6 : i32
      %add3A_145 = arith.addi %add3A_137, %add3A_144 : i32
      %lt3A_146 = arith.constant 250 : i32
      %lt3A_147 = arith.cmpi slt, %add3A_145, %lt3A_146 : i32
      %convert_element_type3A_148 = arith.extui %lt3A_147 : i1 to i32
      %cond3A_149 = arith.constant 0 : i32
      %cond3A_150 = arith.cmpi ne, %convert_element_type3A_148, %cond3A_149 : i32
      scf.if %cond3A_150 {
        %add3A_185 = arith.constant 6 : i32
        %add3A_186 = arith.addi %add3A_137, %add3A_185 : i32
        %dma_start3A_187 = arith.constant 0 : i32
        %dma_start3A_188 = tpu.memref_slice %arg6[%add3A_186, %dma_start3A_187] : memref<250x40xi32, #tpu.memory_space<vmem>> -> memref<1x40xi32, #tpu.memory_space<vmem>>
        %dma_start3A_189 = tpu.memref_squeeze %dma_start3A_188 : memref<1x40xi32, #tpu.memory_space<vmem>> -> memref<40xi32, #tpu.memory_space<vmem>>
        %dma_start3A_190 = arith.constant 0 : i32
        %dma_start3A_191 = arith.constant 0 : i32
        %dma_start3A_192 = tpu.memref_slice %arg2[%dma_start3A_190, %dma_start3A_191] : memref<10000x128xf32, #tpu.memory_space<hbm>> -> memref<10000x128xf32, #tpu.memory_space<hbm>>
        tpu.enqueue_indirect_dma source(%dma_start3A_192 : memref<10000x128xf32, #tpu.memory_space<hbm>>) target(%arg11 : memref<40x128xf32, #tpu.memory_space<vmem>>) offsets(%dma_start3A_189 : memref<40xi32, #tpu.memory_space<vmem>>) semaphore(%arg17 : memref<!tpu.dma_semaphore, #tpu.memory_space<semaphore_mem>>)
      } else {
      }
      %mul3A_151 = arith.constant 6 : i32
      %mul3A_152 = arith.muli %mul3A_151, %scan3A_84 : i32
      %add3A_153 = arith.constant 4 : i32
      %add3A_154 = arith.addi %mul3A_152, %add3A_153 : i32
      %dma_wait3A_155 = arith.constant 0 : i32
      %dma_wait3A_156 = tpu.memref_slice %arg6[%add3A_154, %dma_wait3A_155] : memref<250x40xi32, #tpu.memory_space<vmem>> -> memref<1x40xi32, #tpu.memory_space<vmem>>
      %dma_wait3A_157 = tpu.memref_squeeze %dma_wait3A_156 : memref<1x40xi32, #tpu.memory_space<vmem>> -> memref<40xi32, #tpu.memory_space<vmem>>
      %dma_wait3A_158 = arith.constant 0 : i32
      %dma_wait3A_159 = arith.constant 0 : i32
      %dma_wait3A_160 = tpu.memref_slice %arg2[%dma_wait3A_158, %dma_wait3A_159] : memref<10000x128xf32, #tpu.memory_space<hbm>> -> memref<10000x128xf32, #tpu.memory_space<hbm>>
      tpu.wait_indirect_dma semaphore(%arg18 : memref<!tpu.dma_semaphore, #tpu.memory_space<semaphore_mem>>) src(%dma_wait3A_160 : memref<10000x128xf32, #tpu.memory_space<hbm>>) dst(%arg12 : memref<40x128xf32, #tpu.memory_space<vmem>>)
      "tpu.region"() ({
        %run_scoped3A_185 = tpu.sem_alloc : memref<!tpu.dma_semaphore, #tpu.memory_space<semaphore_mem>>
        %dma_start3A_186 = arith.constant 0 : i32
        %dma_start3A_187 = tpu.memref_slice %arg7[%add3A_154, %dma_start3A_186] : memref<250x40xi32, #tpu.memory_space<vmem>> -> memref<1x40xi32, #tpu.memory_space<vmem>>
        %dma_start3A_188 = tpu.memref_squeeze %dma_start3A_187 : memref<1x40xi32, #tpu.memory_space<vmem>> -> memref<40xi32, #tpu.memory_space<vmem>>
        %dma_start3A_189 = arith.constant 0 : i32
        %dma_start3A_190 = arith.constant 0 : i32
        %dma_start3A_191 = tpu.memref_slice %arg20[%dma_start3A_189, %dma_start3A_190] : memref<10000x128xf32, #tpu.memory_space<vmem_shared>> -> memref<10000x128xf32, #tpu.memory_space<vmem_shared>>
        tpu.enqueue_indirect_dma source(%arg12 : memref<40x128xf32, #tpu.memory_space<vmem>>) target(%dma_start3A_191 : memref<10000x128xf32, #tpu.memory_space<vmem_shared>>) offsets(%dma_start3A_188 : memref<40xi32, #tpu.memory_space<vmem>>) semaphore(%run_scoped3A_185 : memref<!tpu.dma_semaphore, #tpu.memory_space<semaphore_mem>>) {add = true}
        %dma_wait3A_192 = arith.constant 0 : i32
        %dma_wait3A_193 = tpu.memref_slice %arg7[%add3A_154, %dma_wait3A_192] : memref<250x40xi32, #tpu.memory_space<vmem>> -> memref<1x40xi32, #tpu.memory_space<vmem>>
        %dma_wait3A_194 = tpu.memref_squeeze %dma_wait3A_193 : memref<1x40xi32, #tpu.memory_space<vmem>> -> memref<40xi32, #tpu.memory_space<vmem>>
        %dma_wait3A_195 = arith.constant 0 : i32
        %dma_wait3A_196 = arith.constant 0 : i32
        %dma_wait3A_197 = tpu.memref_slice %arg20[%dma_wait3A_195, %dma_wait3A_196] : memref<10000x128xf32, #tpu.memory_space<vmem_shared>> -> memref<10000x128xf32, #tpu.memory_space<vmem_shared>>
        tpu.wait_indirect_dma semaphore(%run_scoped3A_185 : memref<!tpu.dma_semaphore, #tpu.memory_space<semaphore_mem>>) src(%arg12 : memref<40x128xf32, #tpu.memory_space<vmem>>) dst(%dma_wait3A_197 : memref<10000x128xf32, #tpu.memory_space<vmem_shared>>)
        tpu.yield
      }) : () -> ()
      %add3A_161 = arith.constant 6 : i32
      %add3A_162 = arith.addi %add3A_154, %add3A_161 : i32
      %lt3A_163 = arith.constant 250 : i32
      %lt3A_164 = arith.cmpi slt, %add3A_162, %lt3A_163 : i32
      %convert_element_type3A_165 = arith.extui %lt3A_164 : i1 to i32
      %cond3A_166 = arith.constant 0 : i32
      %cond3A_167 = arith.cmpi ne, %convert_element_type3A_165, %cond3A_166 : i32
      scf.if %cond3A_167 {
        %add3A_185 = arith.constant 6 : i32
        %add3A_186 = arith.addi %add3A_154, %add3A_185 : i32
        %dma_start3A_187 = arith.constant 0 : i32
        %dma_start3A_188 = tpu.memref_slice %arg6[%add3A_186, %dma_start3A_187] : memref<250x40xi32, #tpu.memory_space<vmem>> -> memref<1x40xi32, #tpu.memory_space<vmem>>
        %dma_start3A_189 = tpu.memref_squeeze %dma_start3A_188 : memref<1x40xi32, #tpu.memory_space<vmem>> -> memref<40xi32, #tpu.memory_space<vmem>>
        %dma_start3A_190 = arith.constant 0 : i32
        %dma_start3A_191 = arith.constant 0 : i32
        %dma_start3A_192 = tpu.memref_slice %arg2[%dma_start3A_190, %dma_start3A_191] : memref<10000x128xf32, #tpu.memory_space<hbm>> -> memref<10000x128xf32, #tpu.memory_space<hbm>>
        tpu.enqueue_indirect_dma source(%dma_start3A_192 : memref<10000x128xf32, #tpu.memory_space<hbm>>) target(%arg12 : memref<40x128xf32, #tpu.memory_space<vmem>>) offsets(%dma_start3A_189 : memref<40xi32, #tpu.memory_space<vmem>>) semaphore(%arg18 : memref<!tpu.dma_semaphore, #tpu.memory_space<semaphore_mem>>)
      } else {
      }
      %mul3A_168 = arith.constant 6 : i32
      %mul3A_169 = arith.muli %mul3A_168, %scan3A_84 : i32
      %add3A_170 = arith.constant 5 : i32
      %add3A_171 = arith.addi %mul3A_169, %add3A_170 : i32
      %dma_wait3A_172 = arith.constant 0 : i32
      %dma_wait3A_173 = tpu.memref_slice %arg6[%add3A_171, %dma_wait3A_172] : memref<250x40xi32, #tpu.memory_space<vmem>> -> memref<1x40xi32, #tpu.memory_space<vmem>>
      %dma_wait3A_174 = tpu.memref_squeeze %dma_wait3A_173 : memref<1x40xi32, #tpu.memory_space<vmem>> -> memref<40xi32, #tpu.memory_space<vmem>>
      %dma_wait3A_175 = arith.constant 0 : i32
      %dma_wait3A_176 = arith.constant 0 : i32
      %dma_wait3A_177 = tpu.memref_slice %arg2[%dma_wait3A_175, %dma_wait3A_176] : memref<10000x128xf32, #tpu.memory_space<hbm>> -> memref<10000x128xf32, #tpu.memory_space<hbm>>
      tpu.wait_indirect_dma semaphore(%arg19 : memref<!tpu.dma_semaphore, #tpu.memory_space<semaphore_mem>>) src(%dma_wait3A_177 : memref<10000x128xf32, #tpu.memory_space<hbm>>) dst(%arg13 : memref<40x128xf32, #tpu.memory_space<vmem>>)
      "tpu.region"() ({
        %run_scoped3A_185 = tpu.sem_alloc : memref<!tpu.dma_semaphore, #tpu.memory_space<semaphore_mem>>
        %dma_start3A_186 = arith.constant 0 : i32
        %dma_start3A_187 = tpu.memref_slice %arg7[%add3A_171, %dma_start3A_186] : memref<250x40xi32, #tpu.memory_space<vmem>> -> memref<1x40xi32, #tpu.memory_space<vmem>>
        %dma_start3A_188 = tpu.memref_squeeze %dma_start3A_187 : memref<1x40xi32, #tpu.memory_space<vmem>> -> memref<40xi32, #tpu.memory_space<vmem>>
        %dma_start3A_189 = arith.constant 0 : i32
        %dma_start3A_190 = arith.constant 0 : i32
        %dma_start3A_191 = tpu.memref_slice %arg20[%dma_start3A_189, %dma_start3A_190] : memref<10000x128xf32, #tpu.memory_space<vmem_shared>> -> memref<10000x128xf32, #tpu.memory_space<vmem_shared>>
        tpu.enqueue_indirect_dma source(%arg13 : memref<40x128xf32, #tpu.memory_space<vmem>>) target(%dma_start3A_191 : memref<10000x128xf32, #tpu.memory_space<vmem_shared>>) offsets(%dma_start3A_188 : memref<40xi32, #tpu.memory_space<vmem>>) semaphore(%run_scoped3A_185 : memref<!tpu.dma_semaphore, #tpu.memory_space<semaphore_mem>>) {add = true}
        %dma_wait3A_192 = arith.constant 0 : i32
        %dma_wait3A_193 = tpu.memref_slice %arg7[%add3A_171, %dma_wait3A_192] : memref<250x40xi32, #tpu.memory_space<vmem>> -> memref<1x40xi32, #tpu.memory_space<vmem>>
        %dma_wait3A_194 = tpu.memref_squeeze %dma_wait3A_193 : memref<1x40xi32, #tpu.memory_space<vmem>> -> memref<40xi32, #tpu.memory_space<vmem>>
        %dma_wait3A_195 = arith.constant 0 : i32
        %dma_wait3A_196 = arith.constant 0 : i32
        %dma_wait3A_197 = tpu.memref_slice %arg20[%dma_wait3A_195, %dma_wait3A_196] : memref<10000x128xf32, #tpu.memory_space<vmem_shared>> -> memref<10000x128xf32, #tpu.memory_space<vmem_shared>>
        tpu.wait_indirect_dma semaphore(%run_scoped3A_185 : memref<!tpu.dma_semaphore, #tpu.memory_space<semaphore_mem>>) src(%arg13 : memref<40x128xf32, #tpu.memory_space<vmem>>) dst(%dma_wait3A_197 : memref<10000x128xf32, #tpu.memory_space<vmem_shared>>)
        tpu.yield
      }) : () -> ()
      %add3A_178 = arith.constant 6 : i32
      %add3A_179 = arith.addi %add3A_171, %add3A_178 : i32
      %lt3A_180 = arith.constant 250 : i32
      %lt3A_181 = arith.cmpi slt, %add3A_179, %lt3A_180 : i32
      %convert_element_type3A_182 = arith.extui %lt3A_181 : i1 to i32
      %cond3A_183 = arith.constant 0 : i32
      %cond3A_184 = arith.cmpi ne, %convert_element_type3A_182, %cond3A_183 : i32
      scf.if %cond3A_184 {
        %add3A_185 = arith.constant 6 : i32
        %add3A_186 = arith.addi %add3A_171, %add3A_185 : i32
        %dma_start3A_187 = arith.constant 0 : i32
        %dma_start3A_188 = tpu.memref_slice %arg6[%add3A_186, %dma_start3A_187] : memref<250x40xi32, #tpu.memory_space<vmem>> -> memref<1x40xi32, #tpu.memory_space<vmem>>
        %dma_start3A_189 = tpu.memref_squeeze %dma_start3A_188 : memref<1x40xi32, #tpu.memory_space<vmem>> -> memref<40xi32, #tpu.memory_space<vmem>>
        %dma_start3A_190 = arith.constant 0 : i32
        %dma_start3A_191 = arith.constant 0 : i32
        %dma_start3A_192 = tpu.memref_slice %arg2[%dma_start3A_190, %dma_start3A_191] : memref<10000x128xf32, #tpu.memory_space<hbm>> -> memref<10000x128xf32, #tpu.memory_space<hbm>>
        tpu.enqueue_indirect_dma source(%dma_start3A_192 : memref<10000x128xf32, #tpu.memory_space<hbm>>) target(%arg13 : memref<40x128xf32, #tpu.memory_space<vmem>>) offsets(%dma_start3A_189 : memref<40xi32, #tpu.memory_space<vmem>>) semaphore(%arg19 : memref<!tpu.dma_semaphore, #tpu.memory_space<semaphore_mem>>)
      } else {
      }
    }
    %scan3A_47 = arith.constant 41 : i32
    %dma_wait3A = arith.constant 246 : i32
    %dma_wait3A_48 = arith.constant 0 : i32
    %dma_wait3A_49 = tpu.memref_slice %arg6[%dma_wait3A, %dma_wait3A_48] : memref<250x40xi32, #tpu.memory_space<vmem>> -> memref<1x40xi32, #tpu.memory_space<vmem>>
    %dma_wait3A_50 = tpu.memref_squeeze %dma_wait3A_49 : memref<1x40xi32, #tpu.memory_space<vmem>> -> memref<40xi32, #tpu.memory_space<vmem>>
    %dma_wait3A_51 = arith.constant 0 : i32
    %dma_wait3A_52 = arith.constant 0 : i32
    %dma_wait3A_53 = tpu.memref_slice %arg2[%dma_wait3A_51, %dma_wait3A_52] : memref<10000x128xf32, #tpu.memory_space<hbm>> -> memref<10000x128xf32, #tpu.memory_space<hbm>>
    tpu.wait_indirect_dma semaphore(%arg14 : memref<!tpu.dma_semaphore, #tpu.memory_space<semaphore_mem>>) src(%dma_wait3A_53 : memref<10000x128xf32, #tpu.memory_space<hbm>>) dst(%arg8 : memref<40x128xf32, #tpu.memory_space<vmem>>)
    %run_scoped3A = arith.constant 246 : i32
    "tpu.region"() ({
      %run_scoped3A_84 = tpu.sem_alloc : memref<!tpu.dma_semaphore, #tpu.memory_space<semaphore_mem>>
      %dma_start3A_85 = arith.constant 0 : i32
      %dma_start3A_86 = tpu.memref_slice %arg7[%run_scoped3A, %dma_start3A_85] : memref<250x40xi32, #tpu.memory_space<vmem>> -> memref<1x40xi32, #tpu.memory_space<vmem>>
      %dma_start3A_87 = tpu.memref_squeeze %dma_start3A_86 : memref<1x40xi32, #tpu.memory_space<vmem>> -> memref<40xi32, #tpu.memory_space<vmem>>
      %dma_start3A_88 = arith.constant 0 : i32
      %dma_start3A_89 = arith.constant 0 : i32
      %dma_start3A_90 = tpu.memref_slice %arg20[%dma_start3A_88, %dma_start3A_89] : memref<10000x128xf32, #tpu.memory_space<vmem_shared>> -> memref<10000x128xf32, #tpu.memory_space<vmem_shared>>
      tpu.enqueue_indirect_dma source(%arg8 : memref<40x128xf32, #tpu.memory_space<vmem>>) target(%dma_start3A_90 : memref<10000x128xf32, #tpu.memory_space<vmem_shared>>) offsets(%dma_start3A_87 : memref<40xi32, #tpu.memory_space<vmem>>) semaphore(%run_scoped3A_84 : memref<!tpu.dma_semaphore, #tpu.memory_space<semaphore_mem>>) {add = true}
      %dma_wait3A_91 = arith.constant 0 : i32
      %dma_wait3A_92 = tpu.memref_slice %arg7[%run_scoped3A, %dma_wait3A_91] : memref<250x40xi32, #tpu.memory_space<vmem>> -> memref<1x40xi32, #tpu.memory_space<vmem>>
      %dma_wait3A_93 = tpu.memref_squeeze %dma_wait3A_92 : memref<1x40xi32, #tpu.memory_space<vmem>> -> memref<40xi32, #tpu.memory_space<vmem>>
      %dma_wait3A_94 = arith.constant 0 : i32
      %dma_wait3A_95 = arith.constant 0 : i32
      %dma_wait3A_96 = tpu.memref_slice %arg20[%dma_wait3A_94, %dma_wait3A_95] : memref<10000x128xf32, #tpu.memory_space<vmem_shared>> -> memref<10000x128xf32, #tpu.memory_space<vmem_shared>>
      tpu.wait_indirect_dma semaphore(%run_scoped3A_84 : memref<!tpu.dma_semaphore, #tpu.memory_space<semaphore_mem>>) src(%arg8 : memref<40x128xf32, #tpu.memory_space<vmem>>) dst(%dma_wait3A_96 : memref<10000x128xf32, #tpu.memory_space<vmem_shared>>)
      tpu.yield
    }) : () -> ()
    %dma_wait3A_54 = arith.constant 247 : i32
    %dma_wait3A_55 = arith.constant 0 : i32
    %dma_wait3A_56 = tpu.memref_slice %arg6[%dma_wait3A_54, %dma_wait3A_55] : memref<250x40xi32, #tpu.memory_space<vmem>> -> memref<1x40xi32, #tpu.memory_space<vmem>>
    %dma_wait3A_57 = tpu.memref_squeeze %dma_wait3A_56 : memref<1x40xi32, #tpu.memory_space<vmem>> -> memref<40xi32, #tpu.memory_space<vmem>>
    %dma_wait3A_58 = arith.constant 0 : i32
    %dma_wait3A_59 = arith.constant 0 : i32
    %dma_wait3A_60 = tpu.memref_slice %arg2[%dma_wait3A_58, %dma_wait3A_59] : memref<10000x128xf32, #tpu.memory_space<hbm>> -> memref<10000x128xf32, #tpu.memory_space<hbm>>
    tpu.wait_indirect_dma semaphore(%arg15 : memref<!tpu.dma_semaphore, #tpu.memory_space<semaphore_mem>>) src(%dma_wait3A_60 : memref<10000x128xf32, #tpu.memory_space<hbm>>) dst(%arg9 : memref<40x128xf32, #tpu.memory_space<vmem>>)
    %run_scoped3A_61 = arith.constant 247 : i32
    "tpu.region"() ({
      %run_scoped3A_84 = tpu.sem_alloc : memref<!tpu.dma_semaphore, #tpu.memory_space<semaphore_mem>>
      %dma_start3A_85 = arith.constant 0 : i32
      %dma_start3A_86 = tpu.memref_slice %arg7[%run_scoped3A_61, %dma_start3A_85] : memref<250x40xi32, #tpu.memory_space<vmem>> -> memref<1x40xi32, #tpu.memory_space<vmem>>
      %dma_start3A_87 = tpu.memref_squeeze %dma_start3A_86 : memref<1x40xi32, #tpu.memory_space<vmem>> -> memref<40xi32, #tpu.memory_space<vmem>>
      %dma_start3A_88 = arith.constant 0 : i32
      %dma_start3A_89 = arith.constant 0 : i32
      %dma_start3A_90 = tpu.memref_slice %arg20[%dma_start3A_88, %dma_start3A_89] : memref<10000x128xf32, #tpu.memory_space<vmem_shared>> -> memref<10000x128xf32, #tpu.memory_space<vmem_shared>>
      tpu.enqueue_indirect_dma source(%arg9 : memref<40x128xf32, #tpu.memory_space<vmem>>) target(%dma_start3A_90 : memref<10000x128xf32, #tpu.memory_space<vmem_shared>>) offsets(%dma_start3A_87 : memref<40xi32, #tpu.memory_space<vmem>>) semaphore(%run_scoped3A_84 : memref<!tpu.dma_semaphore, #tpu.memory_space<semaphore_mem>>) {add = true}
      %dma_wait3A_91 = arith.constant 0 : i32
      %dma_wait3A_92 = tpu.memref_slice %arg7[%run_scoped3A_61, %dma_wait3A_91] : memref<250x40xi32, #tpu.memory_space<vmem>> -> memref<1x40xi32, #tpu.memory_space<vmem>>
      %dma_wait3A_93 = tpu.memref_squeeze %dma_wait3A_92 : memref<1x40xi32, #tpu.memory_space<vmem>> -> memref<40xi32, #tpu.memory_space<vmem>>
      %dma_wait3A_94 = arith.constant 0 : i32
      %dma_wait3A_95 = arith.constant 0 : i32
      %dma_wait3A_96 = tpu.memref_slice %arg20[%dma_wait3A_94, %dma_wait3A_95] : memref<10000x128xf32, #tpu.memory_space<vmem_shared>> -> memref<10000x128xf32, #tpu.memory_space<vmem_shared>>
      tpu.wait_indirect_dma semaphore(%run_scoped3A_84 : memref<!tpu.dma_semaphore, #tpu.memory_space<semaphore_mem>>) src(%arg9 : memref<40x128xf32, #tpu.memory_space<vmem>>) dst(%dma_wait3A_96 : memref<10000x128xf32, #tpu.memory_space<vmem_shared>>)
      tpu.yield
    }) : () -> ()
    %dma_wait3A_62 = arith.constant 248 : i32
    %dma_wait3A_63 = arith.constant 0 : i32
    %dma_wait3A_64 = tpu.memref_slice %arg6[%dma_wait3A_62, %dma_wait3A_63] : memref<250x40xi32, #tpu.memory_space<vmem>> -> memref<1x40xi32, #tpu.memory_space<vmem>>
    %dma_wait3A_65 = tpu.memref_squeeze %dma_wait3A_64 : memref<1x40xi32, #tpu.memory_space<vmem>> -> memref<40xi32, #tpu.memory_space<vmem>>
    %dma_wait3A_66 = arith.constant 0 : i32
    %dma_wait3A_67 = arith.constant 0 : i32
    %dma_wait3A_68 = tpu.memref_slice %arg2[%dma_wait3A_66, %dma_wait3A_67] : memref<10000x128xf32, #tpu.memory_space<hbm>> -> memref<10000x128xf32, #tpu.memory_space<hbm>>
    tpu.wait_indirect_dma semaphore(%arg16 : memref<!tpu.dma_semaphore, #tpu.memory_space<semaphore_mem>>) src(%dma_wait3A_68 : memref<10000x128xf32, #tpu.memory_space<hbm>>) dst(%arg10 : memref<40x128xf32, #tpu.memory_space<vmem>>)
    %run_scoped3A_69 = arith.constant 248 : i32
    "tpu.region"() ({
      %run_scoped3A_84 = tpu.sem_alloc : memref<!tpu.dma_semaphore, #tpu.memory_space<semaphore_mem>>
      %dma_start3A_85 = arith.constant 0 : i32
      %dma_start3A_86 = tpu.memref_slice %arg7[%run_scoped3A_69, %dma_start3A_85] : memref<250x40xi32, #tpu.memory_space<vmem>> -> memref<1x40xi32, #tpu.memory_space<vmem>>
      %dma_start3A_87 = tpu.memref_squeeze %dma_start3A_86 : memref<1x40xi32, #tpu.memory_space<vmem>> -> memref<40xi32, #tpu.memory_space<vmem>>
      %dma_start3A_88 = arith.constant 0 : i32
      %dma_start3A_89 = arith.constant 0 : i32
      %dma_start3A_90 = tpu.memref_slice %arg20[%dma_start3A_88, %dma_start3A_89] : memref<10000x128xf32, #tpu.memory_space<vmem_shared>> -> memref<10000x128xf32, #tpu.memory_space<vmem_shared>>
      tpu.enqueue_indirect_dma source(%arg10 : memref<40x128xf32, #tpu.memory_space<vmem>>) target(%dma_start3A_90 : memref<10000x128xf32, #tpu.memory_space<vmem_shared>>) offsets(%dma_start3A_87 : memref<40xi32, #tpu.memory_space<vmem>>) semaphore(%run_scoped3A_84 : memref<!tpu.dma_semaphore, #tpu.memory_space<semaphore_mem>>) {add = true}
      %dma_wait3A_91 = arith.constant 0 : i32
      %dma_wait3A_92 = tpu.memref_slice %arg7[%run_scoped3A_69, %dma_wait3A_91] : memref<250x40xi32, #tpu.memory_space<vmem>> -> memref<1x40xi32, #tpu.memory_space<vmem>>
      %dma_wait3A_93 = tpu.memref_squeeze %dma_wait3A_92 : memref<1x40xi32, #tpu.memory_space<vmem>> -> memref<40xi32, #tpu.memory_space<vmem>>
      %dma_wait3A_94 = arith.constant 0 : i32
      %dma_wait3A_95 = arith.constant 0 : i32
      %dma_wait3A_96 = tpu.memref_slice %arg20[%dma_wait3A_94, %dma_wait3A_95] : memref<10000x128xf32, #tpu.memory_space<vmem_shared>> -> memref<10000x128xf32, #tpu.memory_space<vmem_shared>>
      tpu.wait_indirect_dma semaphore(%run_scoped3A_84 : memref<!tpu.dma_semaphore, #tpu.memory_space<semaphore_mem>>) src(%arg10 : memref<40x128xf32, #tpu.memory_space<vmem>>) dst(%dma_wait3A_96 : memref<10000x128xf32, #tpu.memory_space<vmem_shared>>)
      tpu.yield
    }) : () -> ()
    %dma_wait3A_70 = arith.constant 249 : i32
    %dma_wait3A_71 = arith.constant 0 : i32
    %dma_wait3A_72 = tpu.memref_slice %arg6[%dma_wait3A_70, %dma_wait3A_71] : memref<250x40xi32, #tpu.memory_space<vmem>> -> memref<1x40xi32, #tpu.memory_space<vmem>>
    %dma_wait3A_73 = tpu.memref_squeeze %dma_wait3A_72 : memref<1x40xi32, #tpu.memory_space<vmem>> -> memref<40xi32, #tpu.memory_space<vmem>>
    %dma_wait3A_74 = arith.constant 0 : i32
    %dma_wait3A_75 = arith.constant 0 : i32
    %dma_wait3A_76 = tpu.memref_slice %arg2[%dma_wait3A_74, %dma_wait3A_75] : memref<10000x128xf32, #tpu.memory_space<hbm>> -> memref<10000x128xf32, #tpu.memory_space<hbm>>
    tpu.wait_indirect_dma semaphore(%arg17 : memref<!tpu.dma_semaphore, #tpu.memory_space<semaphore_mem>>) src(%dma_wait3A_76 : memref<10000x128xf32, #tpu.memory_space<hbm>>) dst(%arg11 : memref<40x128xf32, #tpu.memory_space<vmem>>)
    %run_scoped3A_77 = arith.constant 249 : i32
    "tpu.region"() ({
      %run_scoped3A_84 = tpu.sem_alloc : memref<!tpu.dma_semaphore, #tpu.memory_space<semaphore_mem>>
      %dma_start3A_85 = arith.constant 0 : i32
      %dma_start3A_86 = tpu.memref_slice %arg7[%run_scoped3A_77, %dma_start3A_85] : memref<250x40xi32, #tpu.memory_space<vmem>> -> memref<1x40xi32, #tpu.memory_space<vmem>>
      %dma_start3A_87 = tpu.memref_squeeze %dma_start3A_86 : memref<1x40xi32, #tpu.memory_space<vmem>> -> memref<40xi32, #tpu.memory_space<vmem>>
      %dma_start3A_88 = arith.constant 0 : i32
      %dma_start3A_89 = arith.constant 0 : i32
      %dma_start3A_90 = tpu.memref_slice %arg20[%dma_start3A_88, %dma_start3A_89] : memref<10000x128xf32, #tpu.memory_space<vmem_shared>> -> memref<10000x128xf32, #tpu.memory_space<vmem_shared>>
      tpu.enqueue_indirect_dma source(%arg11 : memref<40x128xf32, #tpu.memory_space<vmem>>) target(%dma_start3A_90 : memref<10000x128xf32, #tpu.memory_space<vmem_shared>>) offsets(%dma_start3A_87 : memref<40xi32, #tpu.memory_space<vmem>>) semaphore(%run_scoped3A_84 : memref<!tpu.dma_semaphore, #tpu.memory_space<semaphore_mem>>) {add = true}
      %dma_wait3A_91 = arith.constant 0 : i32
      %dma_wait3A_92 = tpu.memref_slice %arg7[%run_scoped3A_77, %dma_wait3A_91] : memref<250x40xi32, #tpu.memory_space<vmem>> -> memref<1x40xi32, #tpu.memory_space<vmem>>
      %dma_wait3A_93 = tpu.memref_squeeze %dma_wait3A_92 : memref<1x40xi32, #tpu.memory_space<vmem>> -> memref<40xi32, #tpu.memory_space<vmem>>
      %dma_wait3A_94 = arith.constant 0 : i32
      %dma_wait3A_95 = arith.constant 0 : i32
      %dma_wait3A_96 = tpu.memref_slice %arg20[%dma_wait3A_94, %dma_wait3A_95] : memref<10000x128xf32, #tpu.memory_space<vmem_shared>> -> memref<10000x128xf32, #tpu.memory_space<vmem_shared>>
      tpu.wait_indirect_dma semaphore(%run_scoped3A_84 : memref<!tpu.dma_semaphore, #tpu.memory_space<semaphore_mem>>) src(%arg11 : memref<40x128xf32, #tpu.memory_space<vmem>>) dst(%dma_wait3A_96 : memref<10000x128xf32, #tpu.memory_space<vmem_shared>>)
      tpu.yield
    }) : () -> ()
    %barrier3A_78 = arith.constant 0 : index
    tpu.barrier barrier_id(%barrier3A_78)
    %lt3A_79 = arith.constant 10 : i32
    %lt3A_80 = arith.cmpi slt, %arg1, %lt3A_79 : i32
    %convert_element_type3A_81 = arith.extui %lt3A_80 : i1 to i32
    %cond3A_82 = arith.constant 0 : i32
    %cond3A_83 = arith.cmpi ne, %convert_element_type3A_81, %cond3A_82 : i32
    scf.if %cond3A_83 {
      %mul3A = arith.constant 1000 : i32
      %mul3A_84 = arith.muli %arg1, %mul3A : i32
      %mul3A_85 = arith.constant 1000 : i32
      %mul3A_86 = arith.muli %arg1, %mul3A_85 : i32
      "tpu.region"() ({
        %run_scoped3A_87 = tpu.sem_alloc : memref<!tpu.dma_semaphore, #tpu.memory_space<semaphore_mem>>
        %dma_start3A_88 = arith.constant 0 : i32
        %dma_start3A_89 = tpu.memref_slice %arg5[%arg0, %mul3A_86, %dma_start3A_88] : memref<2x10000x128xf32, #tpu.memory_space<hbm>> -> memref<1x1000x128xf32, #tpu.memory_space<hbm>>
        %dma_start3A_90 = tpu.memref_squeeze %dma_start3A_89 : memref<1x1000x128xf32, #tpu.memory_space<hbm>> -> memref<1000x128xf32, #tpu.memory_space<hbm>>
        %dma_start3A_91 = arith.constant 0 : i32
        %dma_start3A_92 = tpu.memref_slice %arg20[%mul3A_84, %dma_start3A_91] : memref<10000x128xf32, #tpu.memory_space<vmem_shared>> -> memref<1000x128xf32, #tpu.memory_space<vmem_shared>>
        tpu.enqueue_dma source(%dma_start3A_92 : memref<1000x128xf32, #tpu.memory_space<vmem_shared>>) target(%dma_start3A_90 : memref<1000x128xf32, #tpu.memory_space<hbm>>) target_semaphore(%run_scoped3A_87 : memref<!tpu.dma_semaphore, #tpu.memory_space<semaphore_mem>>)
        %dma_wait3A_93 = arith.constant 0 : i32
        %dma_wait3A_94 = tpu.memref_slice %arg5[%arg0, %mul3A_86, %dma_wait3A_93] : memref<2x10000x128xf32, #tpu.memory_space<hbm>> -> memref<1x1000x128xf32, #tpu.memory_space<hbm>>
        %dma_wait3A_95 = tpu.memref_squeeze %dma_wait3A_94 : memref<1x1000x128xf32, #tpu.memory_space<hbm>> -> memref<1000x128xf32, #tpu.memory_space<hbm>>
        %dma_wait3A_96 = arith.constant 0 : i32
        %dma_wait3A_97 = tpu.memref_slice %arg20[%mul3A_84, %dma_wait3A_96] : memref<10000x128xf32, #tpu.memory_space<vmem_shared>> -> memref<1000x128xf32, #tpu.memory_space<vmem_shared>>
        tpu.wait_dma2 semaphore(%run_scoped3A_87 : memref<!tpu.dma_semaphore, #tpu.memory_space<semaphore_mem>>) src(%dma_wait3A_97 : memref<1000x128xf32, #tpu.memory_space<vmem_shared>>) dst(%dma_wait3A_95 : memref<1000x128xf32, #tpu.memory_space<hbm>>)
        tpu.yield
      }) : () -> ()
    } else {
    }
    return
  }
}

#map = affine_map<(d0, d1) -> (0, 0, 0, 0)>
#map1 = affine_map<(d0, d1) -> (0, 0)>
#map2 = affine_map<(d0, d1) -> (0, 0, 0)>
module attributes {stable_mosaic.version = 14 : i64} {
  func.func @_deg_body(%arg0: i32, %arg1: i32, %arg2: memref<2x16x250x40xi32, #tpu.memory_space<hbm>>, %arg3: memref<40x16xf32, #tpu.memory_space<hbm>>, %arg4: memref<1000x16xf32, #tpu.memory_space<hbm>>, %arg5: memref<2x10000x16xf32, #tpu.memory_space<hbm>>, %arg6: memref<250x40xi32, #tpu.memory_space<vmem>>, %arg7: memref<40x16xf32, #tpu.memory_space<vmem>>, %arg8: memref<!tpu.dma_semaphore, #tpu.memory_space<semaphore_mem>>, %arg9: memref<10000x16xf32, #tpu.memory_space<vmem_shared>>) attributes {dimension_semantics = [#tpu.dimension_semantics<core_parallel>, #tpu.dimension_semantics<subcore_parallel>], iteration_bounds = array<i64: 2, 16>, scalar_prefetch = 0 : i64, scratch_operands = 4 : i64, tpu.core_type = #tpu.core_type<sc_vector_subcore>, window_params = [{transform_indices = #map}, {transform_indices = #map1}, {transform_indices = #map1}, {transform_indices = #map2}]} {
    "tpu.region"() ({
      %run_scoped3A = tpu.sem_alloc : memref<!tpu.dma_semaphore, #tpu.memory_space<semaphore_mem>>
      tpu.enqueue_dma source(%arg3 : memref<40x16xf32, #tpu.memory_space<hbm>>) target(%arg7 : memref<40x16xf32, #tpu.memory_space<vmem>>) target_semaphore(%run_scoped3A : memref<!tpu.dma_semaphore, #tpu.memory_space<semaphore_mem>>)
      tpu.wait_dma2 semaphore(%run_scoped3A : memref<!tpu.dma_semaphore, #tpu.memory_space<semaphore_mem>>) src(%arg3 : memref<40x16xf32, #tpu.memory_space<hbm>>) dst(%arg7 : memref<40x16xf32, #tpu.memory_space<vmem>>)
      tpu.yield
    }) : () -> ()
    "tpu.region"() ({
      %run_scoped3A = tpu.sem_alloc : memref<!tpu.dma_semaphore, #tpu.memory_space<semaphore_mem>>
      %dma_start3A = arith.constant 0 : i32
      %dma_start3A_13 = arith.constant 0 : i32
      %dma_start3A_14 = tpu.memref_slice %arg2[%arg0, %arg1, %dma_start3A, %dma_start3A_13] : memref<2x16x250x40xi32, #tpu.memory_space<hbm>> -> memref<1x1x250x40xi32, #tpu.memory_space<hbm>>
      %dma_start3A_15 = tpu.memref_squeeze %dma_start3A_14 : memref<1x1x250x40xi32, #tpu.memory_space<hbm>> -> memref<250x40xi32, #tpu.memory_space<hbm>>
      %dma_start3A_16 = arith.constant 0 : i32
      %dma_start3A_17 = arith.constant 0 : i32
      %dma_start3A_18 = tpu.memref_slice %arg2[%arg0, %arg1, %dma_start3A_16, %dma_start3A_17] : memref<2x16x250x40xi32, #tpu.memory_space<hbm>> -> memref<1x1x250x40xi32, #tpu.memory_space<hbm>>
      %dma_start3A_19 = tpu.memref_squeeze %dma_start3A_18 : memref<1x1x250x40xi32, #tpu.memory_space<hbm>> -> memref<250x40xi32, #tpu.memory_space<hbm>>
      tpu.enqueue_dma source(%dma_start3A_19 : memref<250x40xi32, #tpu.memory_space<hbm>>) target(%arg6 : memref<250x40xi32, #tpu.memory_space<vmem>>) target_semaphore(%run_scoped3A : memref<!tpu.dma_semaphore, #tpu.memory_space<semaphore_mem>>)
      %dma_wait3A = arith.constant 0 : i32
      %dma_wait3A_20 = arith.constant 0 : i32
      %dma_wait3A_21 = tpu.memref_slice %arg2[%arg0, %arg1, %dma_wait3A, %dma_wait3A_20] : memref<2x16x250x40xi32, #tpu.memory_space<hbm>> -> memref<1x1x250x40xi32, #tpu.memory_space<hbm>>
      %dma_wait3A_22 = tpu.memref_squeeze %dma_wait3A_21 : memref<1x1x250x40xi32, #tpu.memory_space<hbm>> -> memref<250x40xi32, #tpu.memory_space<hbm>>
      %dma_wait3A_23 = arith.constant 0 : i32
      %dma_wait3A_24 = arith.constant 0 : i32
      %dma_wait3A_25 = tpu.memref_slice %arg2[%arg0, %arg1, %dma_wait3A_23, %dma_wait3A_24] : memref<2x16x250x40xi32, #tpu.memory_space<hbm>> -> memref<1x1x250x40xi32, #tpu.memory_space<hbm>>
      %dma_wait3A_26 = tpu.memref_squeeze %dma_wait3A_25 : memref<1x1x250x40xi32, #tpu.memory_space<hbm>> -> memref<250x40xi32, #tpu.memory_space<hbm>>
      tpu.wait_dma2 semaphore(%run_scoped3A : memref<!tpu.dma_semaphore, #tpu.memory_space<semaphore_mem>>) src(%dma_wait3A_26 : memref<250x40xi32, #tpu.memory_space<hbm>>) dst(%arg6 : memref<250x40xi32, #tpu.memory_space<vmem>>)
      tpu.yield
    }) : () -> ()
    %lt3A = arith.constant 10 : i32
    %lt3A_0 = arith.cmpi slt, %arg1, %lt3A : i32
    %convert_element_type3A = arith.extui %lt3A_0 : i1 to i32
    %cond3A = arith.constant 0 : i32
    %cond3A_1 = arith.cmpi ne, %convert_element_type3A, %cond3A : i32
    scf.if %cond3A_1 {
      %mul3A = arith.constant 1000 : i32
      %mul3A_13 = arith.muli %arg1, %mul3A : i32
      "tpu.region"() ({
        %run_scoped3A = tpu.sem_alloc : memref<!tpu.dma_semaphore, #tpu.memory_space<semaphore_mem>>
        %dma_start3A = arith.constant 0 : i32
        %dma_start3A_14 = tpu.memref_slice %arg9[%mul3A_13, %dma_start3A] : memref<10000x16xf32, #tpu.memory_space<vmem_shared>> -> memref<1000x16xf32, #tpu.memory_space<vmem_shared>>
        tpu.enqueue_dma source(%arg4 : memref<1000x16xf32, #tpu.memory_space<hbm>>) target(%dma_start3A_14 : memref<1000x16xf32, #tpu.memory_space<vmem_shared>>) target_semaphore(%run_scoped3A : memref<!tpu.dma_semaphore, #tpu.memory_space<semaphore_mem>>)
        %dma_wait3A = arith.constant 0 : i32
        %dma_wait3A_15 = tpu.memref_slice %arg9[%mul3A_13, %dma_wait3A] : memref<10000x16xf32, #tpu.memory_space<vmem_shared>> -> memref<1000x16xf32, #tpu.memory_space<vmem_shared>>
        tpu.wait_dma2 semaphore(%run_scoped3A : memref<!tpu.dma_semaphore, #tpu.memory_space<semaphore_mem>>) src(%arg4 : memref<1000x16xf32, #tpu.memory_space<hbm>>) dst(%dma_wait3A_15 : memref<1000x16xf32, #tpu.memory_space<vmem_shared>>)
        tpu.yield
      }) : () -> ()
    } else {
    }
    %barrier3A = arith.constant 0 : index
    tpu.barrier barrier_id(%barrier3A)
    %scan3A = arith.constant 0 : i32
    %scan3A_2 = arith.constant 0 : i32
    %scan3A_3 = arith.constant 10 : i32
    %scan3A_4 = arith.addi %scan3A_2, %scan3A_3 : i32
    %scan3A_5 = arith.constant 1 : i32
    scf.for %scan3A_13 = %scan3A_2 to %scan3A_4 step %scan3A_5  : i32 {
      %scan3A_14 = arith.constant 0 : i32
      %scan3A_15 = arith.constant 0 : i32
      %scan3A_16 = arith.constant 25 : i32
      %scan3A_17 = arith.addi %scan3A_15, %scan3A_16 : i32
      %scan3A_18 = arith.constant 1 : i32
      scf.for %scan3A_26 = %scan3A_15 to %scan3A_17 step %scan3A_18  : i32 {
        %mul3A = arith.constant 25 : i32
        %mul3A_27 = arith.muli %scan3A_13, %mul3A : i32
        %add3A = arith.addi %mul3A_27, %scan3A_26 : i32
        %dma_start3A = arith.constant 0 : i32
        %dma_start3A_28 = tpu.memref_slice %arg6[%add3A, %dma_start3A] : memref<250x40xi32, #tpu.memory_space<vmem>> -> memref<1x40xi32, #tpu.memory_space<vmem>>
        %dma_start3A_29 = tpu.memref_squeeze %dma_start3A_28 : memref<1x40xi32, #tpu.memory_space<vmem>> -> memref<40xi32, #tpu.memory_space<vmem>>
        %dma_start3A_30 = arith.constant 0 : i32
        %dma_start3A_31 = arith.constant 0 : i32
        %dma_start3A_32 = tpu.memref_slice %arg9[%dma_start3A_30, %dma_start3A_31] : memref<10000x16xf32, #tpu.memory_space<vmem_shared>> -> memref<10000x16xf32, #tpu.memory_space<vmem_shared>>
        tpu.enqueue_indirect_dma source(%arg7 : memref<40x16xf32, #tpu.memory_space<vmem>>) target(%dma_start3A_32 : memref<10000x16xf32, #tpu.memory_space<vmem_shared>>) offsets(%dma_start3A_29 : memref<40xi32, #tpu.memory_space<vmem>>) semaphore(%arg8 : memref<!tpu.dma_semaphore, #tpu.memory_space<semaphore_mem>>) {add = true}
      }
      %scan3A_19 = arith.constant 25 : i32
      %scan3A_20 = arith.constant 0 : i32
      %scan3A_21 = arith.constant 0 : i32
      %scan3A_22 = arith.constant 25 : i32
      %scan3A_23 = arith.addi %scan3A_21, %scan3A_22 : i32
      %scan3A_24 = arith.constant 1 : i32
      scf.for %scan3A_26 = %scan3A_21 to %scan3A_23 step %scan3A_24  : i32 {
        %dma_wait3A = arith.constant 0 : i32
        %dma_wait3A_27 = arith.constant 0 : i32
        %dma_wait3A_28 = tpu.memref_slice %arg6[%dma_wait3A, %dma_wait3A_27] : memref<250x40xi32, #tpu.memory_space<vmem>> -> memref<1x40xi32, #tpu.memory_space<vmem>>
        %dma_wait3A_29 = tpu.memref_squeeze %dma_wait3A_28 : memref<1x40xi32, #tpu.memory_space<vmem>> -> memref<40xi32, #tpu.memory_space<vmem>>
        %dma_wait3A_30 = arith.constant 0 : i32
        %dma_wait3A_31 = arith.constant 0 : i32
        %dma_wait3A_32 = tpu.memref_slice %arg9[%dma_wait3A_30, %dma_wait3A_31] : memref<10000x16xf32, #tpu.memory_space<vmem_shared>> -> memref<10000x16xf32, #tpu.memory_space<vmem_shared>>
        tpu.wait_indirect_dma semaphore(%arg8 : memref<!tpu.dma_semaphore, #tpu.memory_space<semaphore_mem>>) src(%arg7 : memref<40x16xf32, #tpu.memory_space<vmem>>) dst(%dma_wait3A_32 : memref<10000x16xf32, #tpu.memory_space<vmem_shared>>)
      }
      %scan3A_25 = arith.constant 25 : i32
    }
    %scan3A_6 = arith.constant 10 : i32
    %barrier3A_7 = arith.constant 0 : index
    tpu.barrier barrier_id(%barrier3A_7)
    %lt3A_8 = arith.constant 10 : i32
    %lt3A_9 = arith.cmpi slt, %arg1, %lt3A_8 : i32
    %convert_element_type3A_10 = arith.extui %lt3A_9 : i1 to i32
    %cond3A_11 = arith.constant 0 : i32
    %cond3A_12 = arith.cmpi ne, %convert_element_type3A_10, %cond3A_11 : i32
    scf.if %cond3A_12 {
      %mul3A = arith.constant 1000 : i32
      %mul3A_13 = arith.muli %arg1, %mul3A : i32
      %mul3A_14 = arith.constant 1000 : i32
      %mul3A_15 = arith.muli %arg1, %mul3A_14 : i32
      "tpu.region"() ({
        %run_scoped3A = tpu.sem_alloc : memref<!tpu.dma_semaphore, #tpu.memory_space<semaphore_mem>>
        %dma_start3A = arith.constant 0 : i32
        %dma_start3A_16 = tpu.memref_slice %arg5[%arg0, %mul3A_15, %dma_start3A] : memref<2x10000x16xf32, #tpu.memory_space<hbm>> -> memref<1x1000x16xf32, #tpu.memory_space<hbm>>
        %dma_start3A_17 = tpu.memref_squeeze %dma_start3A_16 : memref<1x1000x16xf32, #tpu.memory_space<hbm>> -> memref<1000x16xf32, #tpu.memory_space<hbm>>
        %dma_start3A_18 = arith.constant 0 : i32
        %dma_start3A_19 = tpu.memref_slice %arg9[%mul3A_13, %dma_start3A_18] : memref<10000x16xf32, #tpu.memory_space<vmem_shared>> -> memref<1000x16xf32, #tpu.memory_space<vmem_shared>>
        tpu.enqueue_dma source(%dma_start3A_19 : memref<1000x16xf32, #tpu.memory_space<vmem_shared>>) target(%dma_start3A_17 : memref<1000x16xf32, #tpu.memory_space<hbm>>) target_semaphore(%run_scoped3A : memref<!tpu.dma_semaphore, #tpu.memory_space<semaphore_mem>>)
        %dma_wait3A = arith.constant 0 : i32
        %dma_wait3A_20 = tpu.memref_slice %arg5[%arg0, %mul3A_15, %dma_wait3A] : memref<2x10000x16xf32, #tpu.memory_space<hbm>> -> memref<1x1000x16xf32, #tpu.memory_space<hbm>>
        %dma_wait3A_21 = tpu.memref_squeeze %dma_wait3A_20 : memref<1x1000x16xf32, #tpu.memory_space<hbm>> -> memref<1000x16xf32, #tpu.memory_space<hbm>>
        %dma_wait3A_22 = arith.constant 0 : i32
        %dma_wait3A_23 = tpu.memref_slice %arg9[%mul3A_13, %dma_wait3A_22] : memref<10000x16xf32, #tpu.memory_space<vmem_shared>> -> memref<1000x16xf32, #tpu.memory_space<vmem_shared>>
        tpu.wait_dma2 semaphore(%run_scoped3A : memref<!tpu.dma_semaphore, #tpu.memory_space<semaphore_mem>>) src(%dma_wait3A_23 : memref<1000x16xf32, #tpu.memory_space<vmem_shared>>) dst(%dma_wait3A_21 : memref<1000x16xf32, #tpu.memory_space<hbm>>)
        tpu.yield
      }) : () -> ()
    } else {
    }
    return
  }
}

module attributes {stable_mosaic.version = 14 : i64} {
  func.func @_mma_body(%arg0: i32, %arg1: memref<1000x128xf32, #tpu.memory_space<vmem>>, %arg2: memref<1000x128xf32, #tpu.memory_space<vmem>>, %arg3: memref<128x128xf32, #tpu.memory_space<vmem>>, %arg4: memref<128x128xf32, #tpu.memory_space<vmem>>, %arg5: memref<1000x128xf32, #tpu.memory_space<vmem>>) attributes {dimension_semantics = [#tpu.dimension_semantics<arbitrary>], iteration_bounds = array<i64: 10>, scalar_prefetch = 0 : i64, scratch_operands = 0 : i64, tpu.core_type = #tpu.core_type<tc>, window_params = [{transform_indices = @transform_0, window_bounds = array<i64: 1000, 128>}, {transform_indices = @transform_1, window_bounds = array<i64: 1000, 128>}, {pipeline_mode = #tpu.pipeline_mode<synchronous>, transform_indices = @transform_2, window_bounds = array<i64: 128, 128>}, {pipeline_mode = #tpu.pipeline_mode<synchronous>, transform_indices = @transform_3, window_bounds = array<i64: 128, 128>}, {transform_indices = @transform_4, window_bounds = array<i64: 1000, 128>}]} {
    %get3A = arith.constant 0 : index
    %get3A_0 = arith.constant 0 : index
    %get3A_1 = vector.load %arg1[%get3A, %get3A_0] : memref<1000x128xf32, #tpu.memory_space<vmem>>, vector<1000x128xf32>
    %get3A_2 = arith.constant 0 : index
    %get3A_3 = arith.constant 0 : index
    %get3A_4 = vector.load %arg3[%get3A_2, %get3A_3] : memref<128x128xf32, #tpu.memory_space<vmem>>, vector<128x128xf32>
    %dot_general3A = arith.constant dense<0.000000e+00> : vector<1000x128xf32>
    %dot_general3A_5 = tpu.matmul %get3A_1, %get3A_4, %dot_general3A {dimension_numbers = #tpu.dot_dimension_numbers<[1], [0], [0], [1], [0, 0, 1, 1], [], []>, transpose_lhs_hint = false} : vector<1000x128xf32>, vector<128x128xf32>, vector<1000x128xf32> -> vector<1000x128xf32>
    %get3A_6 = arith.constant 0 : index
    %get3A_7 = arith.constant 0 : index
    %get3A_8 = vector.load %arg2[%get3A_6, %get3A_7] : memref<1000x128xf32, #tpu.memory_space<vmem>>, vector<1000x128xf32>
    %get3A_9 = arith.constant 0 : index
    %get3A_10 = arith.constant 0 : index
    %get3A_11 = vector.load %arg4[%get3A_9, %get3A_10] : memref<128x128xf32, #tpu.memory_space<vmem>>, vector<128x128xf32>
    %dot_general3A_12 = arith.constant dense<0.000000e+00> : vector<1000x128xf32>
    %dot_general3A_13 = tpu.matmul %get3A_8, %get3A_11, %dot_general3A_12 {dimension_numbers = #tpu.dot_dimension_numbers<[1], [0], [0], [1], [0, 0, 1, 1], [], []>, transpose_lhs_hint = false} : vector<1000x128xf32>, vector<128x128xf32>, vector<1000x128xf32> -> vector<1000x128xf32>
    %add3A = arith.addf %dot_general3A_5, %dot_general3A_13 : vector<1000x128xf32>
    %swap3A = arith.constant 0 : index
    %swap3A_14 = arith.constant 0 : index
    %swap3A_15 = vector.load %arg5[%swap3A, %swap3A_14] : memref<1000x128xf32, #tpu.memory_space<vmem>>, vector<1000x128xf32>
    tpu.vector_store %arg5[%swap3A, %swap3A_14], %add3A {strides = array<i32>} : memref<1000x128xf32, #tpu.memory_space<vmem>>, vector<1000x128xf32>,
    return
  }
  func.func @transform_0(%arg0: i32) -> (i32, i32) {
    %c0_i32 = arith.constant 0 : i32
    %c0_i32_0 = arith.constant 0 : i32
    return %arg0, %c0_i32 : i32, i32
  }
  func.func @transform_1(%arg0: i32) -> (i32, i32) {
    %c0_i32 = arith.constant 0 : i32
    %c0_i32_0 = arith.constant 0 : i32
    return %arg0, %c0_i32 : i32, i32
  }
  func.func @transform_2(%arg0: i32) -> (i32, i32) {
    %c0_i32 = arith.constant 0 : i32
    %c0_i32_0 = arith.constant 0 : i32
    %c0_i32_1 = arith.constant 0 : i32
    return %c0_i32, %c0_i32_0 : i32, i32
  }
  func.func @transform_3(%arg0: i32) -> (i32, i32) {
    %c0_i32 = arith.constant 0 : i32
    %c0_i32_0 = arith.constant 0 : i32
    %c0_i32_1 = arith.constant 0 : i32
    return %c0_i32, %c0_i32_0 : i32, i32
  }
  func.func @transform_4(%arg0: i32) -> (i32, i32) {
    %c0_i32 = arith.constant 0 : i32
    %c0_i32_0 = arith.constant 0 : i32
    return %arg0, %c0_i32 : i32, i32
  }
}

module attributes {stable_mosaic.version = 14 : i64} {
  func.func @_mmb_body(%arg0: i32, %arg1: memref<1000x128xf32, #tpu.memory_space<vmem>>, %arg2: memref<1000x16xf32, #tpu.memory_space<vmem>>, %arg3: memref<1000x16xf32, #tpu.memory_space<vmem>>, %arg4: memref<1000x128xf32, #tpu.memory_space<vmem>>, %arg5: memref<1000x1xf32, #tpu.memory_space<vmem>>) attributes {dimension_semantics = [#tpu.dimension_semantics<arbitrary>], iteration_bounds = array<i64: 10>, scalar_prefetch = 0 : i64, scratch_operands = 0 : i64, tpu.core_type = #tpu.core_type<tc>, window_params = [{transform_indices = @transform_0, window_bounds = array<i64: 1000, 128>}, {transform_indices = @transform_1, window_bounds = array<i64: 1000, 16>}, {transform_indices = @transform_2, window_bounds = array<i64: 1000, 16>}, {transform_indices = @transform_3, window_bounds = array<i64: 1000, 128>}, {transform_indices = @transform_4, window_bounds = array<i64: 1000, 1>}]} {
    %get3A = arith.constant 0 : index
    %get3A_0 = arith.constant 0 : index
    %get3A_1 = vector.load %arg2[%get3A, %get3A_0] : memref<1000x16xf32, #tpu.memory_space<vmem>>, vector<1000x16xf32>
    %reduce_sum3A = arith.constant dense<0.000000e+00> : vector<1000xf32>
    %reduce_sum3A_2 = vector.multi_reduction <add>, %get3A_1, %reduce_sum3A [1] : vector<1000x16xf32> to vector<1000xf32>
    %broadcast_in_dim3A = vector.shape_cast %reduce_sum3A_2 : vector<1000xf32> to vector<1000x1xf32>
    %get3A_3 = arith.constant 0 : index
    %get3A_4 = arith.constant 0 : index
    %get3A_5 = vector.load %arg3[%get3A_3, %get3A_4] : memref<1000x16xf32, #tpu.memory_space<vmem>>, vector<1000x16xf32>
    %reduce_sum3A_6 = arith.constant dense<0.000000e+00> : vector<1000xf32>
    %reduce_sum3A_7 = vector.multi_reduction <add>, %get3A_5, %reduce_sum3A_6 [1] : vector<1000x16xf32> to vector<1000xf32>
    %broadcast_in_dim3A_8 = vector.shape_cast %reduce_sum3A_7 : vector<1000xf32> to vector<1000x1xf32>
    %add3A = arith.addf %broadcast_in_dim3A, %broadcast_in_dim3A_8 : vector<1000x1xf32>
    %mul3A = arith.constant 6.250000e-02 : f32
    %mul3A_9 = vector.broadcast %mul3A : f32 to vector<1000x1xf32>
    %mul3A_10 = arith.mulf %add3A, %mul3A_9 : vector<1000x1xf32>
    %add3A_11 = arith.constant 1.000000e+00 : f32
    %add3A_12 = vector.broadcast %add3A_11 : f32 to vector<1000x1xf32>
    %add3A_13 = arith.addf %mul3A_10, %add3A_12 : vector<1000x1xf32>
    %rsqrt3A = math.rsqrt %add3A_13 : vector<1000x1xf32>
    %swap3A = arith.constant 0 : index
    %swap3A_14 = arith.constant 0 : index
    %swap3A_15 = vector.load %arg5[%swap3A, %swap3A_14] : memref<1000x1xf32, #tpu.memory_space<vmem>>, vector<1000x1xf32>
    tpu.vector_store %arg5[%swap3A, %swap3A_14], %rsqrt3A {strides = array<i32>} : memref<1000x1xf32, #tpu.memory_space<vmem>>, vector<1000x1xf32>,
    %get3A_16 = arith.constant 0 : index
    %get3A_17 = arith.constant 0 : index
    %get3A_18 = vector.load %arg1[%get3A_16, %get3A_17] : memref<1000x128xf32, #tpu.memory_space<vmem>>, vector<1000x128xf32>
    %mul3A_19 = vector.broadcast %rsqrt3A : vector<1000x1xf32> to vector<1000x128xf32>
    %mul3A_20 = arith.mulf %get3A_18, %mul3A_19 : vector<1000x128xf32>
    %swap3A_21 = arith.constant 0 : index
    %swap3A_22 = arith.constant 0 : index
    %swap3A_23 = vector.load %arg4[%swap3A_21, %swap3A_22] : memref<1000x128xf32, #tpu.memory_space<vmem>>, vector<1000x128xf32>
    tpu.vector_store %arg4[%swap3A_21, %swap3A_22], %mul3A_20 {strides = array<i32>} : memref<1000x128xf32, #tpu.memory_space<vmem>>, vector<1000x128xf32>,
    return
  }
  func.func @transform_0(%arg0: i32) -> (i32, i32) {
    %c0_i32 = arith.constant 0 : i32
    %c0_i32_0 = arith.constant 0 : i32
    return %arg0, %c0_i32 : i32, i32
  }
  func.func @transform_1(%arg0: i32) -> (i32, i32) {
    %c0_i32 = arith.constant 0 : i32
    %c0_i32_0 = arith.constant 0 : i32
    return %arg0, %c0_i32 : i32, i32
  }
  func.func @transform_2(%arg0: i32) -> (i32, i32) {
    %c0_i32 = arith.constant 0 : i32
    %c0_i32_0 = arith.constant 0 : i32
    return %arg0, %c0_i32 : i32, i32
  }
  func.func @transform_3(%arg0: i32) -> (i32, i32) {
    %c0_i32 = arith.constant 0 : i32
    %c0_i32_0 = arith.constant 0 : i32
    return %arg0, %c0_i32 : i32, i32
  }
  func.func @transform_4(%arg0: i32) -> (i32, i32) {
    %c0_i32 = arith.constant 0 : i32
    %c0_i32_0 = arith.constant 0 : i32
    return %arg0, %c0_i32 : i32, i32
  }
}

module attributes {stable_mosaic.version = 14 : i64} {
  func.func @_fin_body(%arg0: i32, %arg1: memref<2x1000x128xf32, #tpu.memory_space<vmem>>, %arg2: memref<1000x128xf32, #tpu.memory_space<vmem>>, %arg3: memref<1000x1xf32, #tpu.memory_space<vmem>>, %arg4: memref<1x128xf32, #tpu.memory_space<vmem>>, %arg5: memref<1000x128xf32, #tpu.memory_space<vmem>>) attributes {dimension_semantics = [#tpu.dimension_semantics<arbitrary>], iteration_bounds = array<i64: 10>, scalar_prefetch = 0 : i64, scratch_operands = 0 : i64, tpu.core_type = #tpu.core_type<tc>, window_params = [{transform_indices = @transform_0, window_bounds = array<i64: 2, 1000, 128>}, {transform_indices = @transform_1, window_bounds = array<i64: 1000, 128>}, {transform_indices = @transform_2, window_bounds = array<i64: 1000, 1>}, {pipeline_mode = #tpu.pipeline_mode<synchronous>, transform_indices = @transform_3, window_bounds = array<i64: 1, 128>}, {transform_indices = @transform_4, window_bounds = array<i64: 1000, 128>}]} {
    %get3A = arith.constant 0 : index
    %get3A_0 = arith.constant 0 : index
    %get3A_1 = arith.constant 0 : index
    %get3A_2 = vector.load %arg1[%get3A, %get3A_0, %get3A_1] : memref<2x1000x128xf32, #tpu.memory_space<vmem>>, vector<1x1000x128xf32>
    %get3A_3 = vector.shape_cast %get3A_2 : vector<1x1000x128xf32> to vector<1000x128xf32>
    %get3A_4 = arith.constant 1 : index
    %get3A_5 = arith.constant 0 : index
    %get3A_6 = arith.constant 0 : index
    %get3A_7 = vector.load %arg1[%get3A_4, %get3A_5, %get3A_6] : memref<2x1000x128xf32, #tpu.memory_space<vmem>>, vector<1x1000x128xf32>
    %get3A_8 = vector.shape_cast %get3A_7 : vector<1x1000x128xf32> to vector<1000x128xf32>
    %add3A = arith.addf %get3A_3, %get3A_8 : vector<1000x128xf32>
    %get3A_9 = arith.constant 0 : index
    %get3A_10 = arith.constant 0 : index
    %get3A_11 = vector.load %arg2[%get3A_9, %get3A_10] : memref<1000x128xf32, #tpu.memory_space<vmem>>, vector<1000x128xf32>
    %sub3A = arith.subf %add3A, %get3A_11 : vector<1000x128xf32>
    %get3A_12 = arith.constant 0 : index
    %get3A_13 = arith.constant 0 : index
    %get3A_14 = vector.load %arg3[%get3A_12, %get3A_13] : memref<1000x1xf32, #tpu.memory_space<vmem>>, vector<1000x1xf32>
    %mul3A = vector.broadcast %get3A_14 : vector<1000x1xf32> to vector<1000x128xf32>
    %mul3A_15 = arith.mulf %sub3A, %mul3A : vector<1000x128xf32>
    %get3A_16 = arith.constant 0 : index
    %get3A_17 = arith.constant 0 : index
    %get3A_18 = vector.load %arg4[%get3A_16, %get3A_17] : memref<1x128xf32, #tpu.memory_space<vmem>>, vector<1x128xf32>
    %add3A_19 = vector.broadcast %get3A_18 : vector<1x128xf32> to vector<1000x128xf32>
    %add3A_20 = arith.addf %mul3A_15, %add3A_19 : vector<1000x128xf32>
    %swap3A = arith.constant 0 : index
    %swap3A_21 = arith.constant 0 : index
    %swap3A_22 = vector.load %arg5[%swap3A, %swap3A_21] : memref<1000x128xf32, #tpu.memory_space<vmem>>, vector<1000x128xf32>
    tpu.vector_store %arg5[%swap3A, %swap3A_21], %add3A_20 {strides = array<i32>} : memref<1000x128xf32, #tpu.memory_space<vmem>>, vector<1000x128xf32>,
    return
  }
  func.func @transform_0(%arg0: i32) -> (i32, i32, i32) {
    %c0_i32 = arith.constant 0 : i32
    %c0_i32_0 = arith.constant 0 : i32
    %c0_i32_1 = arith.constant 0 : i32
    return %c0_i32, %arg0, %c0_i32_0 : i32, i32, i32
  }
  func.func @transform_1(%arg0: i32) -> (i32, i32) {
    %c0_i32 = arith.constant 0 : i32
    %c0_i32_0 = arith.constant 0 : i32
    return %arg0, %c0_i32 : i32, i32
  }
  func.func @transform_2(%arg0: i32) -> (i32, i32) {
    %c0_i32 = arith.constant 0 : i32
    %c0_i32_0 = arith.constant 0 : i32
    return %arg0, %c0_i32 : i32, i32
  }
  func.func @transform_3(%arg0: i32) -> (i32, i32) {
    %c0_i32 = arith.constant 0 : i32
    %c0_i32_0 = arith.constant 0 : i32
    %c0_i32_1 = arith.constant 0 : i32
    return %c0_i32, %c0_i32_0 : i32, i32
  }
  func.func @transform_4(%arg0: i32) -> (i32, i32) {
    %c0_i32 = arith.constant 0 : i32
    %c0_i32_0 = arith.constant 0 : i32
    return %arg0, %c0_i32 : i32, i32
  }
}

</mosaic_0001>

<sc_bundles>
// kernel: kernel.10.cloned.1.call-start
scs
__scs_entry_jumppad:
0x0: {  	(pc) =	sbr.rel $0x88, $3  }
0x1: {  	(tag) =	ssettag $0x0;
	lr =	simm.s32 $0x1  }
0x2: {  	[smem:$0x3F9A] =	sst lr;
	_ =	strace $0xD0000000  }
0x3: {  	_ = 	snop  }
0x4: {  	_ = 	snop  }
0x5: {  	_ = 	snop  }
0x6: {  	_ = 	snop  }
0x7: {  	_ = 	snop  }
__scs_overlays_trampoline_lowered:
0x8: {  	[smem:$0x3FA9] =	sst s0  }
0x9: {  	[smem:$0x3FAA] =	sst s1  }
0xa: {  	[smem:$0x3FAB] =	sst s2  }
0xb: {  	[smem:$0x3FAC] =	sst s3  }
0xc: {  	[smem:$0x3FAD] =	sst s4  }
0xd: {  	[smem:$0x3FAE] =	sst s5  }
0xe: {  	[smem:$0x3FAF] =	sst s6  }
0xf: {  	[smem:$0x3FB0] =	sst s7  }
0x10: {  	[smem:$0x3FB1] =	sst s8  }
0x11: {  	[smem:$0x3FB2] =	sst s9;
	s0 =	simm.s32 @!p0 $0x0  }
0x12: {  	s1 =	sld [smem:$0x3F98];
	s0 =	simm.s32 @p0 $0x1  }
0x13: {  	[smem:$0x3FB3] =	sst s0;
	s0 =	simm.s32 @!p1 $0x0  }
0x14: {  	s2 =	sld [smem:$0x3F97];
	s0 =	simm.s32 @p1 $0x1  }
0x15: {  	[smem:$0x3FB4] =	sst s0;
	s0 =	simm.s32 @!p2 $0x0  }
0x16: {  	s3 =	sld [smem:$0x3FDB];
	s0 =	simm.s32 @p2 $0x1  }
0x17: {  	s4 =	simm.s32 $0x1BF5;
	[smem:$0x3FB6] =	sst s0  }
0x18: {  	s0 =	sld [smem:$0x3F99];
	_ =	swait.ge [sflag:s4], $0x0  }
0x19: {  	s7 =	sld [smem:$0x3F9A]  }
0x1a: {  	s8 =	sadd.s32 $0xFFFFE003, lr  }
0x1b: {  	s9 =	sadd.s32 $0xFFFFFEF7, lr;
	s5 =	simm.s32 $0xFFFFFFFF;
	p2 =	slt.u32 s8, $0xFFFFF086  }
0x1c: {  	p1 =	slt.u32 s9, $0xF7A;
	s5 =	simm.s32 @!p2 $0x0  }
0x1d: {  	s5 =	simm.s32 @p1 $0x1;
	p0 =	seq.s32 s7, s2  }
0x1e: {  	s7 =	smul.u32 @!p0 $0xF7A, s2;
	p2 =	seq.s32 @!p0 s5, $0x0  }
0x1f: {  	s9 =	smul.u32 $0xF7A, s1;
	s8 =	simm.s32 @!p0 $0x1BF5;
	p2 =	por !p2, p0  }
0x20: {  	[sflag:s8] =	ssyncset.s32 @!p0 $0xFFFFF086;
	s6 =	sadd.s32 @!p0 s3, s7;
	s7 =	simm.s32 @!p0 $0x108  }
0x21: {  	s3 =	sadd.s32 s3, s9;
	s6 =	sadd.s32 @!p0 $0x88, s6;
	s7 =	simm.s32 @p2 $0x1082  }
0x22: {  	[simem:s7], [sflag:s8] =	dma.local @!p0 [hbm:s6], $0xF7A  }
0x23: {  	s9 =	sor.u32 $0xD0000000, s2;
	s6 =	simm.s32 $0x108;
	_ =	swait.ge @!p0 [sflag:s8], $0x0  }
0x24: {  	s3 =	sadd.s32 $0x88, s3;
	s6 =	simm.s32 @!p1 $0x1082;
	[sflag:s4] =	ssyncset.s32 $0xFFFFF086  }
0x25: {  	[simem:s6], [sflag:s4] =	dma.local [hbm:s3], $0xF7A  }
0x26: {  	[smem:$0x3F9A] =	sst s1;
	(tag) =	ssettag s2;
	_ =	strace s9  }
0x27: {  	s1 =	sld [smem:$0x3FAA]  }
0x28: {  	s2 =	sld [smem:$0x3FAB]  }
0x29: {  	s4 =	sld [smem:$0x3FAD]  }
0x2a: {  	p0 =	seq.s32 s5, $0x0;
	s5 =	sld [smem:$0x3FAE]  }
0x2b: {  	s6 =	sld [smem:$0x3FAF]  }
0x2c: {  	s7 =	sld [smem:$0x3FB0]  }
0x2d: {  	s3 =	simm.s32 $0x108;
	s8 =	sld [smem:$0x3FB1]  }
0x2e: {  	s3 =	simm.s32 @!p0 $0x1082;
	s9 =	sld [smem:$0x3FB2]  }
0x2f: {  	lr =	sadd.s32 s0, s3;
	s0 =	sld [smem:$0x3FA9]  }
0x30: {  	s3 =	sld [smem:$0x3FAC]  }
0x31: {  	[smem:$0x3FB5] =	sst s10  }
0x32: {  	s10 =	sld [smem:$0x3FB3];
	_ =	sdelay $0x3  }
0x33: {  	p0 =	seq.s32 s10, $0x1;
	s10 =	sld [smem:$0x3FB5];
	_ =	sdelay $0x3  }
0x34: {  	[smem:$0x3FB5] =	sst s10  }
0x35: {  	s10 =	sld [smem:$0x3FB4];
	_ =	sdelay $0x3  }
0x36: {  	p1 =	seq.s32 s10, $0x1;
	s10 =	sld [smem:$0x3FB5];
	_ =	sdelay $0x3  }
0x37: {  	[smem:$0x3FB5] =	sst s10  }
0x38: {  	s10 =	sld [smem:$0x3FB6]  }
0x39: {  	_ = 	snop;
	(pc) =	sbr.ind lr, $3  }
0x3a: {  	_ = 	snop  }
0x3b: {  	_ = 	snop  }
0x3c: {  	p2 =	seq.s32 s10, $0x1;
	s10 =	sld [smem:$0x3FB5]  }
0x3d: {  	_ =	shalt  }
0x3e: {  	_ =	shalt  }
0x3f: {  	_ =	shalt  }
0x40: {  	_ =	shalt  }
0x41: {  	_ =	shalt  }
0x42: {  	_ =	shalt  }
0x43: {  	_ =	shalt  }
0x44: {  	_ =	shalt  }
0x45: {  	_ =	shalt  }
0x46: {  	_ =	shalt  }
0x47: {  	_ =	shalt  }
0x48: {  	_ =	shalt  }
0x49: {  	_ =	shalt  }
0x4a: {  	_ =	shalt  }
0x4b: {  	_ =	shalt  }
0x4c: {  	_ =	shalt  }
0x4d: {  	_ =	shalt  }
0x4e: {  	_ =	shalt  }
0x4f: {  	_ =	shalt  }
0x50: {  	_ =	shalt  }
0x51: {  	_ =	shalt  }
0x52: {  	_ =	shalt  }
0x53: {  	_ =	shalt  }
0x54: {  	_ =	shalt  }
0x55: {  	_ =	shalt  }
0x56: {  	_ =	shalt  }
0x57: {  	_ =	shalt  }
0x58: {  	_ =	shalt  }
0x59: {  	_ =	shalt  }
0x5a: {  	_ =	shalt  }
0x5b: {  	_ =	shalt  }
0x5c: {  	_ =	shalt  }
0x5d: {  	_ =	shalt  }
0x5e: {  	_ =	shalt  }
0x5f: {  	_ =	shalt  }
0x60: {  	_ =	shalt  }
0x61: {  	_ =	shalt  }
0x62: {  	_ =	shalt  }
0x63: {  	_ =	shalt  }
0x64: {  	_ =	shalt  }
0x65: {  	_ =	shalt  }
0x66: {  	_ =	shalt  }
0x67: {  	_ =	shalt  }
0x68: {  	_ =	shalt  }
0x69: {  	_ =	shalt  }
0x6a: {  	_ =	shalt  }
0x6b: {  	_ =	shalt  }
0x6c: {  	_ =	shalt  }
0x6d: {  	_ =	shalt  }
0x6e: {  	_ =	shalt  }
0x6f: {  	_ =	shalt  }
0x70: {  	_ =	shalt  }
0x71: {  	_ =	shalt  }
0x72: {  	_ =	shalt  }
0x73: {  	_ =	shalt  }
0x74: {  	_ =	shalt  }
0x75: {  	_ =	shalt  }
0x76: {  	_ =	shalt  }
0x77: {  	_ =	shalt  }
0x78: {  	_ =	shalt  }
0x79: {  	_ =	shalt  }
0x7a: {  	_ =	shalt  }
0x7b: {  	_ =	shalt  }
0x7c: {  	_ =	shalt  }
0x7d: {  	_ =	shalt  }
0x7e: {  	_ =	shalt  }
0x7f: {  	_ =	shalt  }
0x80: {  	_ =	shalt  }
0x81: {  	_ =	shalt  }
0x82: {  	_ =	shalt  }
0x83: {  	_ =	shalt  }
0x84: {  	_ =	shalt  }
0x85: {  	_ =	shalt  }
0x86: {  	_ =	shalt  }
0x87: {  	_ =	shalt  }
.Lfunc_end0:
.L_simem_size_0:
called_computation.1_lowered:
.L_overlay_start_0:
0x88: {  	s2 =	sld [smem:$0x3FD9]  }
0x89: {  	s3 =	sld [smem:$0x3FFE];
	_ =	sdelay $0x1  }
0x8a: {  	s1 =	srdreg.scid  }
0x8b: {  	s0 =	sand.u32 $0x1, s1  }
0x8c: {  	s17 =	sshll.u32 s0, $0xA;
	s2 =	sadd.s32 s3, s2  }
0x8d: {  	s2 =	sadd.s32 s2, s17  }
0x8e: {  	[smem:$0x3FC1] =	sst s2  }
0x8f: {  	_ = 	snop  }
0x90: {  	s2 =	sld [smem:$0x3FD0];
	(tm) =	ssettm $0x1  }
0x91: {  	s18 =	sld [smem:$0x3FFB];
	_ =	sdelay $0x3  }
0x92: {  	_ =	strace s18  }
0x93: {  	s3 =	sld [smem:$0x3FFC];
	_ =	sdelay $0x3  }
0x94: {  	_ =	strace s3  }
0x95: {  	s3 =	sld [smem:$0x3FFD];
	_ =	sdelay $0x3  }
0x96: {  	_ =	strace s3  }
0x97: {  	_ =	strace $0x8FFFFFFF  }
0x98: {  	s19 =	sld [smem:$0x3FDB];
	_ =	sdelay $0x1  }
0x99: {  	s4 =	simm.s32 $_scs_section_size  }
0x9a: {  	s5 =	simm.s32 $_size__tile_overlayer_lowered;
	s6 =	simm.s32 $_tile_overlayer_lowered  }
0x9b: {  	s22 =	simm.s32 $0x1BFF;
	s21 =	sshll.u32 s6, $0x1;
	s3 =	sadd.s32 s4, s19  }
0x9c: {  	s7 =	simm.s32 $0x0;
	s20 =	sshll.u32 s5, $0x1;
	s5 =	sadd.s32 s21, s3  }
0x9d: {  	[timem:s7], [sflag:s22] =	dma.local [hbm:s5], s20  }
0x9e: {  	_ =	swait.ge [sflag:s22], s20  }
0x9f: {  	s4 =	ssub.s32 $0x0, s20;
	[sflag:s22] =	ssyncset.done $0x0  }
0xa0: {  	[sflag:s22] =	ssyncadd.s32 s4;
	_ =	sdelay $0x1  }
0xa1: {  	s23 =	simm.s32 $0x1B8B  }
0xa2: {  	_ =	swait.ge [sflag:s23], $0x1  }
0xa3: {  	[sflag:s23] =	ssyncset.done $0x0  }
0xa4: {  	s25 =	simm.s32 $0x1B8E;
	s24 =	sld [smem:$0x3FFE];
	[sflag:s23] =	ssyncadd.s32 $0xFFFFFFFF  }
0xa5: {  	s26 =	simm.s32 $execute0_lowered;
	[smem:$0x3FD2] =	sst s25  }
0xa6: {  	s5 =	sshll.u32 s26, $0x1;
	_ =	strace $0x80000049;
	[dreg:$0x1] =	wrdreg $0xFFFFFFFF  }
0xa7: {  	s28 =	simm.s32 $_size_execute0_lowered;
	s3 =	sadd.s32 s3, s5;
	[dreg:$0x0] =	wrdreg $0x0  }
0xa8: {  	s5 =	sshll.u32 s28, $0x1;
	[dreg:$0x2] =	wrdreg s3  }
0xa9: {  	[dreg:$0x3] =	wrdreg s5  }
0xaa: {  	[dreg:$0x4] =	wrdreg $0xC0  }
0xab: {  	_ =	task [dreg:s7], $0x5FFFF  }
0xac: {  	[dreg:$0x1] =	wrdreg $0xFFFFFFFF  }
0xad: {  	[dreg:$0x0] =	wrdreg $0x60  }
0xae: {  	[dreg:$0x2] =	wrdreg s2  }
0xaf: {  	[dreg:$0x3] =	wrdreg s24  }
0xb0: {  	[dreg:$0x4] =	wrdreg $0xC6200  }
0xb1: {  	[dreg:$0x5] =	wrdreg $0x9  }
0xb2: {  	_ =	task.clear_ibuf [dreg:s7], $0x6FFFF;
	_ =	strace $0x90000049  }
0xb3: {  	s29 =	simm.s32 $0x9;
	_ =	strace $0x8000004B  }
0xb4: {  	_ =	swait.ge [sflag:s29], $0x1  }
0xb5: {  	[sflag:s29] =	ssyncadd.s32 $0xFFFFFFFF  }
0xb6: {  	_ =	strace $0x9000004B  }
0xb7: {  	_ =	sfence  }
0xb8: {  	s30 =	sld [smem:$0x0];
	_ =	sdelay $0x2  }
0xb9: {  	s31 =	sshll.u32 s1, $0xD;
	s1 =	sshrl.u32 s1, $0x2  }
0xba: {  	s3 =	sand.u32 $0x4000, s31;
	s1 =	sadd.s32 s1, s30  }
0xbb: {  	s0 =	sor.u32 s3, s0;
	s1 =	sshll.u32 s1, $0x11  }
0xbc: {  	s0 =	sor.u32 s1, s0  }
0xbd: {  	s0 =	sadd.s32 $0x8F2B, s0  }
0xbe: {  	[sflag:s0] =	ssyncadd.remote.s32 $0x1  }
0xbf: {  	_ =	sfence.sel $0xFFFF  }
0xc0: {  	[dreg:$0x0] =	wrdreg $0xFFFFFFFF;
	(pc) =	sbr.abs _section_cstart, $3  }
0xc1: {  	[dreg:$0x1] =	wrdreg $0xFFFFFFFF  }
0xc2: {  	_ =	task.clear_ibuf [dreg:s7], $0x2FFFF;
	_ =	strace $0x9FFFFFFF  }
0xc3: {  	(tm) =	ssettm $0x7FFFFFFF  }
tec
execute0_lowered:
.L_overlay_start_1:
0x0: {  	(tag) =	ssettag $0x1  }
0x1: {  	s1 =	rddreg [dreg:$0x0]  }
0x2: {  	s0 =	srdreg.scid;
	s2 =	rddreg [dreg:$0x1]  }
0x3: {  	s10 =	stileid.u32;
	s3 =	rddreg [dreg:$0x2];
	s4 =	simm.s32 $0x0  }
0x4: {  	s14 =	simm.s32 $0x28;
	s15 =	simm.s32 $0x4E20;
	s16 =	simm.s32 $0x6220  }
0x5: {  	s18 =	simm.s32 $0x7620;
	s20 =	simm.s32 $0x8A20;
	s22 =	simm.s32 $0x9E20  }
0x6: {  	s28 =	simm.s32 $0x3;
	s29 =	simm.s32 $0x4;
	s30 =	simm.s32 $0x5  }
0x7: {  	s31 =	simm.s32 $0x6;
	s19 =	simm.s32 $0x4DA8;
	s6 =	smul.u32 $0x2710, s10  }
0x8: {  	s21 =	simm.s32 $0x4DD0;
	s0 =	sand.u32 $0x1, s0;
	s7 =	smul.u32 $0x1F400, s10  }
0x9: {  	s23 =	simm.s32 $0x4DF8;
	[smem:$0x7FF] =	sst s4;
	s5 =	smul.u32 $0x27100, s0  }
0xa: {  	p0 =	sgt.u32 s10, $0x9;
	s8 =	smul.u32 $0x138800, s0;
	s0 =	ssub.s32 $0x2, s0  }
0xb: {  	_ =	strace $0x8000004A;
	s25 =	sshrl.u32 s0, $0x1;
	s26 =	sshrl.u32 s7, $0x3  }
0xc: {  	s11 =	sadd.s32 s7, s3;
	s5 =	sadd.s32 s6, s5;
	s24 =	sadd.s32 s7, s8  }
0xd: {  	s0 =	ssub.s32 s0, s25;
	s7 =	sadd.s32 s1, s26;
	s13 =	sshrl.u32 @!p0 s11, $0x3  }
0xe: {  	s25 =	simm.s32 $0x1;
	s26 =	simm.s32 $0x2;
	s5 =	sshrl.u32 s5, $0x3  }
0xf: {  	s6 =	sshrl.u32 s24, $0x3;
	s24 =	simm.s32 $0xB220;
	s9 =	sadd.s32 s5, s2  }
0x10: {  	s2 =	sadd.s32 s6, s2;
	s5 =	sadd.s32 $0x1C00, s9;
	s6 =	sadd.s32 $0xBA00, s9  }
0x11: {  	s8 =	sadd.s32 $0x15800, s2;
	s9 =	smax.u32 s0, $0x1;
	s0 =	sshll.u32 @!p0 s10, $0x6  }
0x12: {  	s10 =	simm.s32 $0x7;
	s2 =	simm.s32 $0x0;
	s12 =	sor.u32 @!p0 $0x1C07, s0  }
.LBB2_1:
0x13: {  	[tilespmem:s4], [sflag:$0x7] =	stream.linear.gather [hbm4b:s5+s4], $0x2710, $0x38;
	[tilespmem:$0x1FEA0] =	vst v63  }
0x14: {  	_ =	swait.ge [sflag:s10], $0x2710  }
0x15: {  	[sflag:s10] =	ssyncset.done $0x0  }
0x16: {  	s0 =	simm.s32 $0x2710;
	[sflag:s10] =	ssyncadd.s32 $0xFFFFD8F0  }
0x17: {  	[tilespmem:s0], [sflag:$0x7] =	stream.linear.gather [hbm4b:s6+s4], $0x2710, $0x38;
	[tilespmem:$0x1FEA0] =	vst v63  }
0x18: {  	_ =	swait.ge [sflag:s10], $0x2710  }
0x19: {  	[sflag:s10] =	ssyncset.done $0x0  }
0x1a: {  	s0 =	simm.s32 @!p0 $0x7;
	[sflag:s10] =	ssyncadd.s32 $0xFFFFD8F0  }
0x1b: {  	[spmem:s13], [sflag:s12] =	dma.local @!p0 [hbm:s7], $0x3E80  }
0x1c: {  	_ =	swait.ge @!p0 [sflag:s0], $0x3E80  }
0x1d: {  	[sflag:s0] =	ssyncset.done @!p0 $0x0  }
0x1e: {  	[sflag:s0] =	ssyncadd.s32 @!p0 $0xFFFFC180  }
0x1f: {  	[bflag:$0x0] =	sbarrier.arrive $0xFFFF  }
0x20: {  	[tilespmem:s15], [sflag:$0x1] =	stream.indirect.gather [hbm4b:s1+s14], $0x80, s4, s14, $0xb8;
	[tilespmem:$0x1FEA0] =	vst v63  }
0x21: {  	_ = 	snop  }
0x22: {  	[tilespmem:s16], [sflag:$0x2] =	stream.indirect.gather [hbm4b:s1+s14], $0x80, s14, s14, $0xb8;
	[tilespmem:$0x1FEA0] =	vst v63  }
0x23: {  	s17 =	simm.s32 $0x50  }
0x24: {  	[tilespmem:s18], [sflag:$0x3] =	stream.indirect.gather [hbm4b:s1+s14], $0x80, s17, s14, $0xb8;
	[tilespmem:$0x1FEA0] =	vst v63  }
0x25: {  	s11 =	simm.s32 $0x78  }
0x26: {  	[tilespmem:s20], [sflag:$0x4] =	stream.indirect.gather [hbm4b:s1+s14], $0x80, s11, s14, $0xb8;
	[tilespmem:$0x1FEA0] =	vst v63  }
0x27: {  	s17 =	simm.s32 $0xA0  }
0x28: {  	[tilespmem:s22], [sflag:$0x5] =	stream.indirect.gather [hbm4b:s1+s14], $0x80, s17, s14, $0xb8;
	[tilespmem:$0x1FEA0] =	vst v63  }
0x29: {  	s11 =	simm.s32 $0xC8  }
0x2a: {  	[tilespmem:s24], [sflag:$0x6] =	stream.indirect.gather [hbm4b:s1+s14], $0x80, s11, s14, $0xb8;
	[tilespmem:$0x1FEA0] =	vst v63  }
0x2b: {  	_ =	swait.ge [sflag:s25], $0x1400  }
0x2c: {  	[sflag:s25] =	ssyncset.done $0x0  }
0x2d: {  	s17 =	simm.s32 $0x2710;
	[sflag:s25] =	ssyncadd.s32 $0xFFFFEC00  }
0x2e: {  	[spmem:s3] =	stream.indirect.scatter.add.f32 [tilespmem:s15], [sflag:$0x7], $0x80, s17, s14, $0xb8;
	[tilespmem:$0x1FEA0] =	vst v63  }
0x2f: {  	_ =	swait.ge [sflag:s10], $0x1400  }
0x30: {  	[sflag:s10] =	ssyncset.done $0x0  }
0x31: {  	s11 =	simm.s32 $0xF0;
	[sflag:s10] =	ssyncadd.s32 $0xFFFFEC00  }
0x32: {  	[tilespmem:s15], [sflag:$0x1] =	stream.indirect.gather [hbm4b:s1+s14], $0x80, s11, s14, $0xb8;
	[tilespmem:$0x1FEA0] =	vst v63  }
0x33: {  	_ =	swait.ge [sflag:s26], $0x1400  }
0x34: {  	[sflag:s26] =	ssyncset.done $0x0  }
0x35: {  	s17 =	simm.s32 $0x2738;
	[sflag:s26] =	ssyncadd.s32 $0xFFFFEC00  }
0x36: {  	[spmem:s3] =	stream.indirect.scatter.add.f32 [tilespmem:s16], [sflag:$0x7], $0x80, s17, s14, $0xb8;
	[tilespmem:$0x1FEA0] =	vst v63  }
0x37: {  	_ =	swait.ge [sflag:s10], $0x1400  }
0x38: {  	[sflag:s10] =	ssyncset.done $0x0  }
0x39: {  	s11 =	simm.s32 $0x118;
	[sflag:s10] =	ssyncadd.s32 $0xFFFFEC00  }
0x3a: {  	[tilespmem:s16], [sflag:$0x2] =	stream.indirect.gather [hbm4b:s1+s14], $0x80, s11, s14, $0xb8;
	[tilespmem:$0x1FEA0] =	vst v63  }
0x3b: {  	_ =	swait.ge [sflag:s28], $0x1400  }
0x3c: {  	[sflag:s28] =	ssyncset.done $0x0  }
0x3d: {  	s17 =	simm.s32 $0x2760;
	[sflag:s28] =	ssyncadd.s32 $0xFFFFEC00  }
0x3e: {  	[spmem:s3] =	stream.indirect.scatter.add.f32 [tilespmem:s18], [sflag:$0x7], $0x80, s17, s14, $0xb8;
	[tilespmem:$0x1FEA0] =	vst v63  }
0x3f: {  	_ =	swait.ge [sflag:s10], $0x1400  }
0x40: {  	[sflag:s10] =	ssyncset.done $0x0  }
0x41: {  	s11 =	simm.s32 $0x140;
	[sflag:s10] =	ssyncadd.s32 $0xFFFFEC00  }
0x42: {  	[tilespmem:s18], [sflag:$0x3] =	stream.indirect.gather [hbm4b:s1+s14], $0x80, s11, s14, $0xb8;
	[tilespmem:$0x1FEA0] =	vst v63  }
0x43: {  	_ =	swait.ge [sflag:s29], $0x1400  }
0x44: {  	[sflag:s29] =	ssyncset.done $0x0  }
0x45: {  	s17 =	simm.s32 $0x2788;
	[sflag:s29] =	ssyncadd.s32 $0xFFFFEC00  }
0x46: {  	[spmem:s3] =	stream.indirect.scatter.add.f32 [tilespmem:s20], [sflag:$0x7], $0x80, s17, s14, $0xb8;
	[tilespmem:$0x1FEA0] =	vst v63  }
0x47: {  	_ =	swait.ge [sflag:s10], $0x1400  }
0x48: {  	[sflag:s10] =	ssyncset.done $0x0  }
0x49: {  	s11 =	simm.s32 $0x168;
	[sflag:s10] =	ssyncadd.s32 $0xFFFFEC00  }
0x4a: {  	[tilespmem:s20], [sflag:$0x4] =	stream.indirect.gather [hbm4b:s1+s14], $0x80, s11, s14, $0xb8;
	[tilespmem:$0x1FEA0] =	vst v63  }
0x4b: {  	_ =	swait.ge [sflag:s30], $0x1400  }
0x4c: {  	[sflag:s30] =	ssyncset.done $0x0  }
0x4d: {  	s17 =	simm.s32 $0x27B0;
	[sflag:s30] =	ssyncadd.s32 $0xFFFFEC00  }
0x4e: {  	[spmem:s3] =	stream.indirect.scatter.add.f32 [tilespmem:s22], [sflag:$0x7], $0x80, s17, s14, $0xb8;
	[tilespmem:$0x1FEA0] =	vst v63  }
0x4f: {  	_ =	swait.ge [sflag:s10], $0x1400  }
0x50: {  	[sflag:s10] =	ssyncset.done $0x0  }
0x51: {  	s11 =	simm.s32 $0x190;
	[sflag:s10] =	ssyncadd.s32 $0xFFFFEC00  }
0x52: {  	[tilespmem:s22], [sflag:$0x5] =	stream.indirect.gather [hbm4b:s1+s14], $0x80, s11, s14, $0xb8;
	[tilespmem:$0x1FEA0] =	vst v63  }
0x53: {  	_ =	swait.ge [sflag:s31], $0x1400  }
0x54: {  	[sflag:s31] =	ssyncset.done $0x0  }
0x55: {  	s17 =	simm.s32 $0x27D8;
	[sflag:s31] =	ssyncadd.s32 $0xFFFFEC00  }
0x56: {  	[spmem:s3] =	stream.indirect.scatter.add.f32 [tilespmem:s24], [sflag:$0x7], $0x80, s17, s14, $0xb8;
	[tilespmem:$0x1FEA0] =	vst v63  }
0x57: {  	_ =	swait.ge [sflag:s10], $0x1400  }
0x58: {  	[sflag:s10] =	ssyncset.done $0x0  }
0x59: {  	s0 =	simm.s32 $0x3C0;
	s11 =	simm.s32 $0x1B8;
	[sflag:s10] =	ssyncadd.s32 $0xFFFFEC00  }
.LBB2_2:
0x5a: {  	[tilespmem:s24], [sflag:$0x6] =	stream.indirect.gather [hbm4b:s1+s14], $0x80, s11, s14, $0xb8;
	[tilespmem:$0x1FEA0] =	vst v63  }
0x5b: {  	s11 =	smov.u32 s0  }
0x5c: {  	p1 =	sne.s32 s0, $0x9240;
	s0 =	sadd.s32 $0x3C0, s0;
	_ =	swait.ge [sflag:s25], $0x1400  }
0x5d: {  	s11 =	sshra.s32 s11, $0x2;
	[sflag:s25] =	ssyncset.done $0x0  }
0x5e: {  	s17 =	sadd.s32 $0x2710, s11;
	[sflag:s25] =	ssyncadd.s32 $0xFFFFEC00  }
0x5f: {  	[spmem:s3] =	stream.indirect.scatter.add.f32 [tilespmem:s15], [sflag:$0x7], $0x80, s17, s14, $0xb8;
	[tilespmem:$0x1FEA0] =	vst v63  }
0x60: {  	_ =	swait.ge [sflag:s10], $0x1400  }
0x61: {  	[sflag:s10] =	ssyncset.done $0x0  }
0x62: {  	s17 =	sadd.s32 $0xF0, s11;
	[sflag:s10] =	ssyncadd.s32 $0xFFFFEC00  }
0x63: {  	[tilespmem:s15], [sflag:$0x1] =	stream.indirect.gather [hbm4b:s1+s14], $0x80, s17, s14, $0xb8;
	[tilespmem:$0x1FEA0] =	vst v63  }
0x64: {  	_ =	swait.ge [sflag:s26], $0x1400  }
0x65: {  	[sflag:s26] =	ssyncset.done $0x0  }
0x66: {  	s17 =	sadd.s32 $0x2738, s11;
	[sflag:s26] =	ssyncadd.s32 $0xFFFFEC00  }
0x67: {  	[spmem:s3] =	stream.indirect.scatter.add.f32 [tilespmem:s16], [sflag:$0x7], $0x80, s17, s14, $0xb8;
	[tilespmem:$0x1FEA0] =	vst v63  }
0x68: {  	_ =	swait.ge [sflag:s10], $0x1400  }
0x69: {  	[sflag:s10] =	ssyncset.done $0x0  }
0x6a: {  	s17 =	sadd.s32 $0x118, s11;
	[sflag:s10] =	ssyncadd.s32 $0xFFFFEC00  }
0x6b: {  	[tilespmem:s16], [sflag:$0x2] =	stream.indirect.gather [hbm4b:s1+s14], $0x80, s17, s14, $0xb8;
	[tilespmem:$0x1FEA0] =	vst v63  }
0x6c: {  	_ =	swait.ge [sflag:s28], $0x1400  }
0x6d: {  	[sflag:s28] =	ssyncset.done $0x0  }
0x6e: {  	s17 =	sadd.s32 $0x2760, s11;
	[sflag:s28] =	ssyncadd.s32 $0xFFFFEC00  }
0x6f: {  	[spmem:s3] =	stream.indirect.scatter.add.f32 [tilespmem:s18], [sflag:$0x7], $0x80, s17, s14, $0xb8;
	[tilespmem:$0x1FEA0] =	vst v63  }
0x70: {  	_ =	swait.ge [sflag:s10], $0x1400  }
0x71: {  	[sflag:s10] =	ssyncset.done $0x0  }
0x72: {  	s17 =	sadd.s32 $0x140, s11;
	[sflag:s10] =	ssyncadd.s32 $0xFFFFEC00  }
0x73: {  	[tilespmem:s18], [sflag:$0x3] =	stream.indirect.gather [hbm4b:s1+s14], $0x80, s17, s14, $0xb8;
	[tilespmem:$0x1FEA0] =	vst v63  }
0x74: {  	_ =	swait.ge [sflag:s29], $0x1400  }
0x75: {  	[sflag:s29] =	ssyncset.done $0x0  }
0x76: {  	s17 =	sadd.s32 $0x2788, s11;
	[sflag:s29] =	ssyncadd.s32 $0xFFFFEC00  }
0x77: {  	[spmem:s3] =	stream.indirect.scatter.add.f32 [tilespmem:s20], [sflag:$0x7], $0x80, s17, s14, $0xb8;
	[tilespmem:$0x1FEA0] =	vst v63  }
0x78: {  	_ =	swait.ge [sflag:s10], $0x1400  }
0x79: {  	[sflag:s10] =	ssyncset.done $0x0  }
0x7a: {  	s17 =	sadd.s32 $0x168, s11;
	[sflag:s10] =	ssyncadd.s32 $0xFFFFEC00  }
0x7b: {  	[tilespmem:s20], [sflag:$0x4] =	stream.indirect.gather [hbm4b:s1+s14], $0x80, s17, s14, $0xb8;
	[tilespmem:$0x1FEA0] =	vst v63  }
0x7c: {  	_ =	swait.ge [sflag:s30], $0x1400  }
0x7d: {  	[sflag:s30] =	ssyncset.done $0x0  }
0x7e: {  	s17 =	sadd.s32 $0x27B0, s11;
	[sflag:s30] =	ssyncadd.s32 $0xFFFFEC00  }
0x7f: {  	[spmem:s3] =	stream.indirect.scatter.add.f32 [tilespmem:s22], [sflag:$0x7], $0x80, s17, s14, $0xb8;
	[tilespmem:$0x1FEA0] =	vst v63  }
0x80: {  	_ =	swait.ge [sflag:s10], $0x1400  }
0x81: {  	[sflag:s10] =	ssyncset.done $0x0  }
0x82: {  	s17 =	sadd.s32 $0x190, s11;
	[sflag:s10] =	ssyncadd.s32 $0xFFFFEC00  }
0x83: {  	[tilespmem:s22], [sflag:$0x5] =	stream.indirect.gather [hbm4b:s1+s14], $0x80, s17, s14, $0xb8;
	[tilespmem:$0x1FEA0] =	vst v63  }
0x84: {  	_ =	swait.ge [sflag:s31], $0x1400  }
0x85: {  	[sflag:s31] =	ssyncset.done $0x0  }
.Ltmp0:
0x86: {  	s17 =	sadd.s32 $0x27D8, s11;
	[sflag:s31] =	ssyncadd.s32 $0xFFFFEC00;
	(pc) =	sbr.rel @p1 .LBB2_2-.Ltmp0, $4  }
0x87: {  	[spmem:s3] =	stream.indirect.scatter.add.f32 [tilespmem:s24], [sflag:$0x7], $0x80, s17, s14, $0xb8;
	[tilespmem:$0x1FEA0] =	vst v63  }
0x88: {  	_ =	swait.ge [sflag:s10], $0x1400  }
0x89: {  	[sflag:s10] =	ssyncset.done $0x0  }
0x8a: {  	s11 =	sadd.s32 $0x1B8, s11;
	[sflag:s10] =	ssyncadd.s32 $0xFFFFEC00  }
0x8b: {  	[tilespmem:s24], [sflag:$0x6] =	stream.indirect.gather [hbm4b:s1+s14], $0x80, s11, s14, $0xb8;
	[tilespmem:$0x1FEA0] =	vst v63  }
0x8c: {  	_ =	swait.ge [sflag:s25], $0x1400  }
0x8d: {  	[sflag:s25] =	ssyncset.done $0x0  }
0x8e: {  	s0 =	simm.s32 $0x4C90;
	[sflag:s25] =	ssyncadd.s32 $0xFFFFEC00  }
0x8f: {  	[spmem:s3] =	stream.indirect.scatter.add.f32 [tilespmem:s15], [sflag:$0x7], $0x80, s0, s14, $0xb8;
	[tilespmem:$0x1FEA0] =	vst v63  }
0x90: {  	_ =	swait.ge [sflag:s10], $0x1400  }
0x91: {  	[sflag:s10] =	ssyncset.done $0x0  }
0x92: {  	s11 =	simm.s32 $0x2670;
	[sflag:s10] =	ssyncadd.s32 $0xFFFFEC00  }
0x93: {  	[tilespmem:s15], [sflag:$0x1] =	stream.indirect.gather [hbm4b:s1+s14], $0x80, s11, s14, $0xb8;
	[tilespmem:$0x1FEA0] =	vst v63  }
0x94: {  	_ =	swait.ge [sflag:s26], $0x1400  }
0x95: {  	[sflag:s26] =	ssyncset.done $0x0  }
0x96: {  	s17 =	simm.s32 $0x4CB8;
	[sflag:s26] =	ssyncadd.s32 $0xFFFFEC00  }
0x97: {  	[spmem:s3] =	stream.indirect.scatter.add.f32 [tilespmem:s16], [sflag:$0x7], $0x80, s17, s14, $0xb8;
	[tilespmem:$0x1FEA0] =	vst v63  }
0x98: {  	_ =	swait.ge [sflag:s10], $0x1400  }
0x99: {  	[sflag:s10] =	ssyncset.done $0x0  }
0x9a: {  	s11 =	simm.s32 $0x2698;
	[sflag:s10] =	ssyncadd.s32 $0xFFFFEC00  }
0x9b: {  	[tilespmem:s16], [sflag:$0x2] =	stream.indirect.gather [hbm4b:s1+s14], $0x80, s11, s14, $0xb8;
	[tilespmem:$0x1FEA0] =	vst v63  }
0x9c: {  	_ =	swait.ge [sflag:s28], $0x1400  }
0x9d: {  	[sflag:s28] =	ssyncset.done $0x0  }
0x9e: {  	s17 =	simm.s32 $0x4CE0;
	[sflag:s28] =	ssyncadd.s32 $0xFFFFEC00  }
0x9f: {  	[spmem:s3] =	stream.indirect.scatter.add.f32 [tilespmem:s18], [sflag:$0x7], $0x80, s17, s14, $0xb8;
	[tilespmem:$0x1FEA0] =	vst v63  }
0xa0: {  	_ =	swait.ge [sflag:s10], $0x1400  }
0xa1: {  	[sflag:s10] =	ssyncset.done $0x0  }
0xa2: {  	s11 =	simm.s32 $0x26C0;
	[sflag:s10] =	ssyncadd.s32 $0xFFFFEC00  }
0xa3: {  	[tilespmem:s18], [sflag:$0x3] =	stream.indirect.gather [hbm4b:s1+s14], $0x80, s11, s14, $0xb8;
	[tilespmem:$0x1FEA0] =	vst v63  }
0xa4: {  	_ =	swait.ge [sflag:s29], $0x1400  }
0xa5: {  	[sflag:s29] =	ssyncset.done $0x0  }
0xa6: {  	s17 =	simm.s32 $0x4D08;
	[sflag:s29] =	ssyncadd.s32 $0xFFFFEC00  }
0xa7: {  	[spmem:s3] =	stream.indirect.scatter.add.f32 [tilespmem:s20], [sflag:$0x7], $0x80, s17, s14, $0xb8;
	[tilespmem:$0x1FEA0] =	vst v63  }
0xa8: {  	_ =	swait.ge [sflag:s10], $0x1400  }
0xa9: {  	[sflag:s10] =	ssyncset.done $0x0  }
0xaa: {  	s11 =	simm.s32 $0x26E8;
	[sflag:s10] =	ssyncadd.s32 $0xFFFFEC00  }
0xab: {  	[tilespmem:s20], [sflag:$0x4] =	stream.indirect.gather [hbm4b:s1+s14], $0x80, s11, s14, $0xb8;
	[tilespmem:$0x1FEA0] =	vst v63  }
0xac: {  	_ =	swait.ge [sflag:s30], $0x1400  }
0xad: {  	[sflag:s30] =	ssyncset.done $0x0  }
0xae: {  	s17 =	simm.s32 $0x4D30;
	[sflag:s30] =	ssyncadd.s32 $0xFFFFEC00  }
0xaf: {  	[spmem:s3] =	stream.indirect.scatter.add.f32 [tilespmem:s22], [sflag:$0x7], $0x80, s17, s14, $0xb8;
	[tilespmem:$0x1FEA0] =	vst v63  }
0xb0: {  	_ =	swait.ge [sflag:s10], $0x1400  }
0xb1: {  	[sflag:s10] =	ssyncset.done $0x0  }
0xb2: {  	[sflag:s10] =	ssyncadd.s32 $0xFFFFEC00  }
0xb3: {  	_ =	swait.ge [sflag:s31], $0x1400  }
0xb4: {  	[sflag:s31] =	ssyncset.done $0x0  }
0xb5: {  	s11 =	simm.s32 $0x4D58;
	[sflag:s31] =	ssyncadd.s32 $0xFFFFEC00  }
0xb6: {  	[spmem:s3] =	stream.indirect.scatter.add.f32 [tilespmem:s24], [sflag:$0x7], $0x80, s11, s14, $0xb8;
	[tilespmem:$0x1FEA0] =	vst v63  }
0xb7: {  	_ =	swait.ge [sflag:s10], $0x1400  }
0xb8: {  	[sflag:s10] =	ssyncset.done $0x0  }
0xb9: {  	[sflag:s10] =	ssyncadd.s32 $0xFFFFEC00  }
0xba: {  	_ =	swait.ge [sflag:s25], $0x1400  }
0xbb: {  	[sflag:s25] =	ssyncset.done $0x0  }
0xbc: {  	s17 =	simm.s32 $0x4D80;
	[sflag:s25] =	ssyncadd.s32 $0xFFFFEC00  }
0xbd: {  	[spmem:s3] =	stream.indirect.scatter.add.f32 [tilespmem:s15], [sflag:$0x7], $0x80, s17, s14, $0xb8;
	[tilespmem:$0x1FEA0] =	vst v63  }
0xbe: {  	_ =	swait.ge [sflag:s10], $0x1400  }
0xbf: {  	[sflag:s10] =	ssyncset.done $0x0  }
0xc0: {  	[sflag:s10] =	ssyncadd.s32 $0xFFFFEC00  }
0xc1: {  	_ =	swait.ge [sflag:s26], $0x1400  }
0xc2: {  	[sflag:s26] =	ssyncset.done $0x0  }
0xc3: {  	[sflag:s26] =	ssyncadd.s32 $0xFFFFEC00  }
0xc4: {  	[spmem:s3] =	stream.indirect.scatter.add.f32 [tilespmem:s16], [sflag:$0x7], $0x80, s19, s14, $0xb8;
	[tilespmem:$0x1FEA0] =	vst v63  }
0xc5: {  	_ =	swait.ge [sflag:s10], $0x1400  }
0xc6: {  	[sflag:s10] =	ssyncset.done $0x0  }
0xc7: {  	[sflag:s10] =	ssyncadd.s32 $0xFFFFEC00  }
0xc8: {  	_ =	swait.ge [sflag:s28], $0x1400  }
0xc9: {  	[sflag:s28] =	ssyncset.done $0x0  }
0xca: {  	[sflag:s28] =	ssyncadd.s32 $0xFFFFEC00  }
0xcb: {  	[spmem:s3] =	stream.indirect.scatter.add.f32 [tilespmem:s18], [sflag:$0x7], $0x80, s21, s14, $0xb8;
	[tilespmem:$0x1FEA0] =	vst v63  }
0xcc: {  	_ =	swait.ge [sflag:s10], $0x1400  }
0xcd: {  	[sflag:s10] =	ssyncset.done $0x0  }
0xce: {  	[sflag:s10] =	ssyncadd.s32 $0xFFFFEC00  }
0xcf: {  	_ =	swait.ge [sflag:s29], $0x1400  }
0xd0: {  	[sflag:s29] =	ssyncset.done $0x0  }
0xd1: {  	[sflag:s29] =	ssyncadd.s32 $0xFFFFEC00  }
0xd2: {  	[spmem:s3] =	stream.indirect.scatter.add.f32 [tilespmem:s20], [sflag:$0x7], $0x80, s23, s14, $0xb8;
	[tilespmem:$0x1FEA0] =	vst v63  }
0xd3: {  	_ =	swait.ge [sflag:s10], $0x1400  }
0xd4: {  	s2 =	sadd.s32 $0x1, s2;
	[sflag:s10] =	ssyncset.done $0x0  }
0xd5: {  	p1 =	sne.s32 s2, s9;
	[sflag:s10] =	ssyncadd.s32 $0xFFFFEC00  }
.Ltmp1:
0xd6: {  	s0 =	simm.s32 @!p0 $0x7;
	[bflag:$0x0] =	sbarrier.arrive $0xFFFF;
	(pc) =	sbr.rel @p1 .LBB2_1-.Ltmp1, $4  }
0xd7: {  	[hbm:s8], [sflag:s12] =	dma.local @!p0 [spmem:s13], $0x3E80  }
0xd8: {  	_ =	swait.ge @!p0 [sflag:s0], $0x3E80  }
0xd9: {  	[sflag:s0] =	ssyncset.done @!p0 $0x0  }
0xda: {  	[sflag:s0] =	ssyncadd.s32 @!p0 $0xFFFFC180  }
0xdb: {  	_ =	sfence.sel $0x180000  }
0xdc: {  	[bflag:$0x0] =	sbarrier.arrive $0xFFFF  }
0xdd: {  	_ =	strace $0x9000004A  }
0xde: {  	s0 =	stileid.u32;
	[bflag:$0x2] =	sbarrier.arrive $0xFFFF  }
0xdf: {  	p0 =	sne.s32 s0, $0x0;
	s0 =	rddreg [dreg:$0x3]  }
0xe0: {  	s0 =	sadd.s32 @!p0 $0x100000, s0  }
0xe1: {  	[sflag:s0] =	ssyncadd.tile.s32 @!p0 $0x1;
	_ =	shalt  }
.Lfunc_end2:
_tile_overlayer_lowered:
.L_overlay_start_2:
0xe2: {  	(tag) =	ssettag $0x2  }
0xe3: {  	s0 =	rddreg [dreg:$0x0];
	s2 =	stileid.u32  }
0xe4: {  	s1 =	rddreg [dreg:$0x1];
	p0 =	sne.s32 s2, $0x0  }
0xe5: {  	s3 =	rddreg [dreg:$0x2];
	[bflag:$0x3] =	sbarrier.arrive $0xFFFF;
	s2 =	simm.s32 @!p0 $0x1C07  }
0xe6: {  	[timem:s3], [sflag:s2] =	dma.local @!p0 [hbm:s0], s1  }
0xe7: {  	s0 =	simm.s32 @!p0 $0x7  }
0xe8: {  	_ =	swait.ge @!p0 [sflag:s0], s1  }
0xe9: {  	s1 =	ssub.s32 @!p0 $0x0, s1;
	[sflag:s0] =	ssyncset.done @!p0 $0x0  }
0xea: {  	[sflag:s0] =	ssyncadd.s32 @!p0 s1  }
0xeb: {  	[bflag:$0x3] =	sbarrier.arrive $0xFFFF  }
0xec: {  	_ =	shalt  }

// kernel: kernel.7.cloned.1.call-start
scs
__scs_entry_jumppad:
0x0: {  	(pc) =	sbr.rel $0x88, $3  }
0x1: {  	(tag) =	ssettag $0x0;
	lr =	simm.s32 $0x1  }
0x2: {  	[smem:$0x3F9A] =	sst lr;
	_ =	strace $0xD0000000  }
0x3: {  	_ = 	snop  }
0x4: {  	_ = 	snop  }
0x5: {  	_ = 	snop  }
0x6: {  	_ = 	snop  }
0x7: {  	_ = 	snop  }
__scs_overlays_trampoline_lowered:
0x8: {  	[smem:$0x3FA9] =	sst s0  }
0x9: {  	[smem:$0x3FAA] =	sst s1  }
0xa: {  	[smem:$0x3FAB] =	sst s2  }
0xb: {  	[smem:$0x3FAC] =	sst s3  }
0xc: {  	[smem:$0x3FAD] =	sst s4  }
0xd: {  	[smem:$0x3FAE] =	sst s5  }
0xe: {  	[smem:$0x3FAF] =	sst s6  }
0xf: {  	[smem:$0x3FB0] =	sst s7  }
0x10: {  	[smem:$0x3FB1] =	sst s8  }
0x11: {  	[smem:$0x3FB2] =	sst s9;
	s0 =	simm.s32 @!p0 $0x0  }
0x12: {  	s1 =	sld [smem:$0x3F98];
	s0 =	simm.s32 @p0 $0x1  }
0x13: {  	[smem:$0x3FB3] =	sst s0;
	s0 =	simm.s32 @!p1 $0x0  }
0x14: {  	s2 =	sld [smem:$0x3F97];
	s0 =	simm.s32 @p1 $0x1  }
0x15: {  	[smem:$0x3FB4] =	sst s0;
	s0 =	simm.s32 @!p2 $0x0  }
0x16: {  	s3 =	sld [smem:$0x3FDB];
	s0 =	simm.s32 @p2 $0x1  }
0x17: {  	s4 =	simm.s32 $0x1BF5;
	[smem:$0x3FB6] =	sst s0  }
0x18: {  	s0 =	sld [smem:$0x3F99];
	_ =	swait.ge [sflag:s4], $0x0  }
0x19: {  	s7 =	sld [smem:$0x3F9A]  }
0x1a: {  	s8 =	sadd.s32 $0xFFFFE003, lr  }
0x1b: {  	s9 =	sadd.s32 $0xFFFFFEF7, lr;
	s5 =	simm.s32 $0xFFFFFFFF;
	p2 =	slt.u32 s8, $0xFFFFF086  }
0x1c: {  	p1 =	slt.u32 s9, $0xF7A;
	s5 =	simm.s32 @!p2 $0x0  }
0x1d: {  	s5 =	simm.s32 @p1 $0x1;
	p0 =	seq.s32 s7, s2  }
0x1e: {  	s7 =	smul.u32 @!p0 $0xF7A, s2;
	p2 =	seq.s32 @!p0 s5, $0x0  }
0x1f: {  	s9 =	smul.u32 $0xF7A, s1;
	s8 =	simm.s32 @!p0 $0x1BF5;
	p2 =	por !p2, p0  }
0x20: {  	[sflag:s8] =	ssyncset.s32 @!p0 $0xFFFFF086;
	s6 =	sadd.s32 @!p0 s3, s7;
	s7 =	simm.s32 @!p0 $0x108  }
0x21: {  	s3 =	sadd.s32 s3, s9;
	s6 =	sadd.s32 @!p0 $0x88, s6;
	s7 =	simm.s32 @p2 $0x1082  }
0x22: {  	[simem:s7], [sflag:s8] =	dma.local @!p0 [hbm:s6], $0xF7A  }
0x23: {  	s9 =	sor.u32 $0xD0000000, s2;
	s6 =	simm.s32 $0x108;
	_ =	swait.ge @!p0 [sflag:s8], $0x0  }
0x24: {  	s3 =	sadd.s32 $0x88, s3;
	s6 =	simm.s32 @!p1 $0x1082;
	[sflag:s4] =	ssyncset.s32 $0xFFFFF086  }
0x25: {  	[simem:s6], [sflag:s4] =	dma.local [hbm:s3], $0xF7A  }
0x26: {  	[smem:$0x3F9A] =	sst s1;
	(tag) =	ssettag s2;
	_ =	strace s9  }
0x27: {  	s1 =	sld [smem:$0x3FAA]  }
0x28: {  	s2 =	sld [smem:$0x3FAB]  }
0x29: {  	s4 =	sld [smem:$0x3FAD]  }
0x2a: {  	p0 =	seq.s32 s5, $0x0;
	s5 =	sld [smem:$0x3FAE]  }
0x2b: {  	s6 =	sld [smem:$0x3FAF]  }
0x2c: {  	s7 =	sld [smem:$0x3FB0]  }
0x2d: {  	s3 =	simm.s32 $0x108;
	s8 =	sld [smem:$0x3FB1]  }
0x2e: {  	s3 =	simm.s32 @!p0 $0x1082;
	s9 =	sld [smem:$0x3FB2]  }
0x2f: {  	lr =	sadd.s32 s0, s3;
	s0 =	sld [smem:$0x3FA9]  }
0x30: {  	s3 =	sld [smem:$0x3FAC]  }
0x31: {  	[smem:$0x3FB5] =	sst s10  }
0x32: {  	s10 =	sld [smem:$0x3FB3];
	_ =	sdelay $0x3  }
0x33: {  	p0 =	seq.s32 s10, $0x1;
	s10 =	sld [smem:$0x3FB5];
	_ =	sdelay $0x3  }
0x34: {  	[smem:$0x3FB5] =	sst s10  }
0x35: {  	s10 =	sld [smem:$0x3FB4];
	_ =	sdelay $0x3  }
0x36: {  	p1 =	seq.s32 s10, $0x1;
	s10 =	sld [smem:$0x3FB5];
	_ =	sdelay $0x3  }
0x37: {  	[smem:$0x3FB5] =	sst s10  }
0x38: {  	s10 =	sld [smem:$0x3FB6]  }
0x39: {  	_ = 	snop;
	(pc) =	sbr.ind lr, $3  }
0x3a: {  	_ = 	snop  }
0x3b: {  	_ = 	snop  }
0x3c: {  	p2 =	seq.s32 s10, $0x1;
	s10 =	sld [smem:$0x3FB5]  }
0x3d: {  	_ =	shalt  }
0x3e: {  	_ =	shalt  }
0x3f: {  	_ =	shalt  }
0x40: {  	_ =	shalt  }
0x41: {  	_ =	shalt  }
0x42: {  	_ =	shalt  }
0x43: {  	_ =	shalt  }
0x44: {  	_ =	shalt  }
0x45: {  	_ =	shalt  }
0x46: {  	_ =	shalt  }
0x47: {  	_ =	shalt  }
0x48: {  	_ =	shalt  }
0x49: {  	_ =	shalt  }
0x4a: {  	_ =	shalt  }
0x4b: {  	_ =	shalt  }
0x4c: {  	_ =	shalt  }
0x4d: {  	_ =	shalt  }
0x4e: {  	_ =	shalt  }
0x4f: {  	_ =	shalt  }
0x50: {  	_ =	shalt  }
0x51: {  	_ =	shalt  }
0x52: {  	_ =	shalt  }
0x53: {  	_ =	shalt  }
0x54: {  	_ =	shalt  }
0x55: {  	_ =	shalt  }
0x56: {  	_ =	shalt  }
0x57: {  	_ =	shalt  }
0x58: {  	_ =	shalt  }
0x59: {  	_ =	shalt  }
0x5a: {  	_ =	shalt  }
0x5b: {  	_ =	shalt  }
0x5c: {  	_ =	shalt  }
0x5d: {  	_ =	shalt  }
0x5e: {  	_ =	shalt  }
0x5f: {  	_ =	shalt  }
0x60: {  	_ =	shalt  }
0x61: {  	_ =	shalt  }
0x62: {  	_ =	shalt  }
0x63: {  	_ =	shalt  }
0x64: {  	_ =	shalt  }
0x65: {  	_ =	shalt  }
0x66: {  	_ =	shalt  }
0x67: {  	_ =	shalt  }
0x68: {  	_ =	shalt  }
0x69: {  	_ =	shalt  }
0x6a: {  	_ =	shalt  }
0x6b: {  	_ =	shalt  }
0x6c: {  	_ =	shalt  }
0x6d: {  	_ =	shalt  }
0x6e: {  	_ =	shalt  }
0x6f: {  	_ =	shalt  }
0x70: {  	_ =	shalt  }
0x71: {  	_ =	shalt  }
0x72: {  	_ =	shalt  }
0x73: {  	_ =	shalt  }
0x74: {  	_ =	shalt  }
0x75: {  	_ =	shalt  }
0x76: {  	_ =	shalt  }
0x77: {  	_ =	shalt  }
0x78: {  	_ =	shalt  }
0x79: {  	_ =	shalt  }
0x7a: {  	_ =	shalt  }
0x7b: {  	_ =	shalt  }
0x7c: {  	_ =	shalt  }
0x7d: {  	_ =	shalt  }
0x7e: {  	_ =	shalt  }
0x7f: {  	_ =	shalt  }
0x80: {  	_ =	shalt  }
0x81: {  	_ =	shalt  }
0x82: {  	_ =	shalt  }
0x83: {  	_ =	shalt  }
0x84: {  	_ =	shalt  }
0x85: {  	_ =	shalt  }
0x86: {  	_ =	shalt  }
0x87: {  	_ =	shalt  }
.Lfunc_end0:
.L_simem_size_0:
called_computation_lowered:
.L_overlay_start_0:
0x88: {  	s2 =	sld [smem:$0x3FD9]  }
0x89: {  	s3 =	sld [smem:$0x3FFE];
	_ =	sdelay $0x1  }
0x8a: {  	s1 =	srdreg.scid  }
0x8b: {  	s0 =	sand.u32 $0x1, s1  }
0x8c: {  	s17 =	sshll.u32 s0, $0xA;
	s2 =	sadd.s32 s3, s2  }
0x8d: {  	s2 =	sadd.s32 s2, s17  }
0x8e: {  	[smem:$0x3FC1] =	sst s2  }
0x8f: {  	_ = 	snop  }
0x90: {  	s2 =	sld [smem:$0x3FD0];
	(tm) =	ssettm $0x1  }
0x91: {  	s18 =	sld [smem:$0x3FFB];
	_ =	sdelay $0x3  }
0x92: {  	_ =	strace s18  }
0x93: {  	s3 =	sld [smem:$0x3FFC];
	_ =	sdelay $0x3  }
0x94: {  	_ =	strace s3  }
0x95: {  	s3 =	sld [smem:$0x3FFD];
	_ =	sdelay $0x3  }
0x96: {  	_ =	strace s3  }
0x97: {  	_ =	strace $0x8FFFFFFF  }
0x98: {  	s19 =	sld [smem:$0x3FDB];
	_ =	sdelay $0x1  }
0x99: {  	s4 =	simm.s32 $_scs_section_size  }
0x9a: {  	s5 =	simm.s32 $_size__tile_overlayer_lowered;
	s6 =	simm.s32 $_tile_overlayer_lowered  }
0x9b: {  	s22 =	simm.s32 $0x1BFF;
	s21 =	sshll.u32 s6, $0x1;
	s3 =	sadd.s32 s4, s19  }
0x9c: {  	s7 =	simm.s32 $0x0;
	s20 =	sshll.u32 s5, $0x1;
	s5 =	sadd.s32 s21, s3  }
0x9d: {  	[timem:s7], [sflag:s22] =	dma.local [hbm:s5], s20  }
0x9e: {  	_ =	swait.ge [sflag:s22], s20  }
0x9f: {  	s4 =	ssub.s32 $0x0, s20;
	[sflag:s22] =	ssyncset.done $0x0  }
0xa0: {  	[sflag:s22] =	ssyncadd.s32 s4;
	_ =	sdelay $0x1  }
0xa1: {  	s23 =	simm.s32 $0x1B8B  }
0xa2: {  	_ =	swait.ge [sflag:s23], $0x1  }
0xa3: {  	[sflag:s23] =	ssyncset.done $0x0  }
0xa4: {  	s25 =	simm.s32 $0x1B8E;
	s24 =	sld [smem:$0x3FFE];
	[sflag:s23] =	ssyncadd.s32 $0xFFFFFFFF  }
0xa5: {  	s26 =	simm.s32 $execute0_lowered;
	[smem:$0x3FD2] =	sst s25  }
0xa6: {  	s5 =	sshll.u32 s26, $0x1;
	_ =	strace $0x80000046;
	[dreg:$0x1] =	wrdreg $0xFFFFFFFF  }
0xa7: {  	s28 =	simm.s32 $_size_execute0_lowered;
	s3 =	sadd.s32 s3, s5;
	[dreg:$0x0] =	wrdreg $0x0  }
0xa8: {  	s5 =	sshll.u32 s28, $0x1;
	[dreg:$0x2] =	wrdreg s3  }
0xa9: {  	[dreg:$0x3] =	wrdreg s5  }
0xaa: {  	[dreg:$0x4] =	wrdreg $0xC0  }
0xab: {  	_ =	task [dreg:s7], $0x5FFFF  }
0xac: {  	[dreg:$0x1] =	wrdreg $0xFFFFFFFF  }
0xad: {  	[dreg:$0x0] =	wrdreg $0x60  }
0xae: {  	[dreg:$0x2] =	wrdreg s24  }
0xaf: {  	[dreg:$0x3] =	wrdreg s2  }
0xb0: {  	[dreg:$0x4] =	wrdreg $0x29900  }
0xb1: {  	[dreg:$0x5] =	wrdreg $0x9  }
0xb2: {  	_ =	task.clear_ibuf [dreg:s7], $0x6FFFF;
	_ =	strace $0x90000046  }
0xb3: {  	s29 =	simm.s32 $0x9;
	_ =	strace $0x80000048  }
0xb4: {  	_ =	swait.ge [sflag:s29], $0x1  }
0xb5: {  	[sflag:s29] =	ssyncadd.s32 $0xFFFFFFFF  }
0xb6: {  	_ =	strace $0x90000048  }
0xb7: {  	_ =	sfence  }
0xb8: {  	s30 =	sld [smem:$0x0];
	_ =	sdelay $0x2  }
0xb9: {  	s31 =	sshll.u32 s1, $0xD;
	s1 =	sshrl.u32 s1, $0x2  }
0xba: {  	s3 =	sand.u32 $0x4000, s31;
	s1 =	sadd.s32 s1, s30  }
0xbb: {  	s0 =	sor.u32 s3, s0;
	s1 =	sshll.u32 s1, $0x11  }
0xbc: {  	s0 =	sor.u32 s1, s0  }
0xbd: {  	s0 =	sadd.s32 $0x8F2B, s0  }
0xbe: {  	[sflag:s0] =	ssyncadd.remote.s32 $0x1  }
0xbf: {  	_ =	sfence.sel $0xFFFF  }
0xc0: {  	[dreg:$0x0] =	wrdreg $0xFFFFFFFF;
	(pc) =	sbr.abs _section_cstart, $3  }
0xc1: {  	[dreg:$0x1] =	wrdreg $0xFFFFFFFF  }
0xc2: {  	_ =	task.clear_ibuf [dreg:s7], $0x2FFFF;
	_ =	strace $0x9FFFFFFF  }
0xc3: {  	(tm) =	ssettm $0x7FFFFFFF  }
tec
execute0_lowered:
.L_overlay_start_1:
0x0: {  	(tag) =	ssettag $0x1  }
0x1: {  	s5 =	rddreg [dreg:$0x0]  }
0x2: {  	s8 =	rddreg [dreg:$0x1]  }
0x3: {  	s0 =	srdreg.scid;
	s2 =	rddreg [dreg:$0x2]  }
0x4: {  	s1 =	rddreg [dreg:$0x3];
	s3 =	simm.s32 $0x0;
	s6 =	sand.u32 $0x1, s0  }
0x5: {  	s14 =	simm.s32 $0x1;
	s0 =	stileid.u32;
	s7 =	smul.u32 $0x27100, s6  }
0x6: {  	s16 =	simm.s32 $0x0;
	[smem:$0x7FF] =	sst s3;
	s4 =	smul.u32 $0x2710, s0  }
0x7: {  	_ =	strace $0x80000047;
	s10 =	smul.u32 $0x3E80, s0;
	s6 =	ssub.s32 $0x2, s6  }
0x8: {  	s11 =	smul.u32 $0xFA00, s0;
	p0 =	sgt.u32 s0, $0x9;
	s12 =	sshrl.u32 s6, $0x1  }
0x9: {  	s4 =	sadd.s32 s4, s7;
	s7 =	sadd.s32 s10, s7;
	s12 =	ssub.s32 s6, s12  }
0xa: {  	s11 =	sshrl.u32 s11, $0x2;
	s15 =	sadd.s32 s10, s2;
	s10 =	simm.s32 $0x2  }
0xb: {  	s4 =	sshrl.u32 s4, $0x3;
	s7 =	sshrl.u32 s7, $0x3;
	s13 =	sadd.s32 s11, s2  }
0xc: {  	s11 =	sshll.u32 @!p0 s0, $0x6;
	s15 =	sshrl.u32 @!p0 s15, $0x3;
	s9 =	sadd.s32 s4, s5  }
0xd: {  	s4 =	sadd.s32 $0x16000, s5;
	s5 =	sadd.s32 $0x15800, s5;
	s7 =	sadd.s32 s8, s7  }
0xe: {  	s8 =	smax.u32 s12, $0x1;
	s11 =	sor.u32 @!p0 $0x1C02, s11;
	s12 =	sshrl.u32 @!p0 s13, $0x3  }
0xf: {  	s13 =	simm.s32 $0x28;
	s6 =	sadd.s32 $0xBA00, s9;
	s9 =	simm.s32 $0x2710  }
.LBB2_1:
0x10: {  	[tilespmem:s9], [sflag:$0x2] =	stream.linear.gather [hbm4b:s4+s3], $0x280, $0x38;
	[tilespmem:$0x50A0] =	vst v63  }
0x11: {  	_ =	swait.ge [sflag:s10], $0x280  }
0x12: {  	[sflag:s10] =	ssyncset.done $0x0  }
0x13: {  	[sflag:s10] =	ssyncadd.s32 $0xFFFFFD80  }
0x14: {  	[tilespmem:s3], [sflag:$0x2] =	stream.linear.gather [hbm4b:s6+s3], $0x2710, $0x38;
	[tilespmem:$0x50A0] =	vst v63  }
0x15: {  	_ =	swait.ge [sflag:s10], $0x2710  }
0x16: {  	[sflag:s10] =	ssyncset.done $0x0  }
0x17: {  	s17 =	simm.s32 @!p0 $0x2;
	[sflag:s10] =	ssyncadd.s32 $0xFFFFD8F0  }
0x18: {  	[spmem:s12], [sflag:s11] =	dma.local @!p0 [hbm:s5], $0x7D0  }
0x19: {  	_ =	swait.ge @!p0 [sflag:s17], $0x7D0  }
0x1a: {  	[sflag:s17] =	ssyncset.done @!p0 $0x0  }
0x1b: {  	[sflag:s17] =	ssyncadd.s32 @!p0 $0xFFFFF830  }
0x1c: {  	s19 =	simm.s32 $0x0;
	[bflag:$0x0] =	sbarrier.arrive $0xFFFF  }
0x1d: {  	[spmem:s2] =	stream.indirect.scatter.add.f32 [tilespmem:s9], [sflag:$0x1], $0x10, s19, s13, $0xb8;
	[tilespmem:$0x50A0] =	vst v63  }
0x1e: {  	s20 =	simm.s32 $0x28  }
0x1f: {  	[spmem:s2] =	stream.indirect.scatter.add.f32 [tilespmem:s9], [sflag:$0x1], $0x10, s20, s13, $0xb8;
	[tilespmem:$0x50A0] =	vst v63  }
0x20: {  	s21 =	simm.s32 $0x50  }
0x21: {  	[spmem:s2] =	stream.indirect.scatter.add.f32 [tilespmem:s9], [sflag:$0x1], $0x10, s21, s13, $0xb8;
	[tilespmem:$0x50A0] =	vst v63  }
0x22: {  	s22 =	simm.s32 $0x78  }
0x23: {  	[spmem:s2] =	stream.indirect.scatter.add.f32 [tilespmem:s9], [sflag:$0x1], $0x10, s22, s13, $0xb8;
	[tilespmem:$0x50A0] =	vst v63  }
0x24: {  	s23 =	simm.s32 $0xA0  }
0x25: {  	[spmem:s2] =	stream.indirect.scatter.add.f32 [tilespmem:s9], [sflag:$0x1], $0x10, s23, s13, $0xb8;
	[tilespmem:$0x50A0] =	vst v63  }
0x26: {  	s24 =	simm.s32 $0xC8  }
0x27: {  	[spmem:s2] =	stream.indirect.scatter.add.f32 [tilespmem:s9], [sflag:$0x1], $0x10, s24, s13, $0xb8;
	[tilespmem:$0x50A0] =	vst v63  }
0x28: {  	s25 =	simm.s32 $0xF0  }
0x29: {  	[spmem:s2] =	stream.indirect.scatter.add.f32 [tilespmem:s9], [sflag:$0x1], $0x10, s25, s13, $0xb8;
	[tilespmem:$0x50A0] =	vst v63  }
0x2a: {  	s26 =	simm.s32 $0x118  }
0x2b: {  	[spmem:s2] =	stream.indirect.scatter.add.f32 [tilespmem:s9], [sflag:$0x1], $0x10, s26, s13, $0xb8;
	[tilespmem:$0x50A0] =	vst v63  }
0x2c: {  	s28 =	simm.s32 $0x140  }
0x2d: {  	[spmem:s2] =	stream.indirect.scatter.add.f32 [tilespmem:s9], [sflag:$0x1], $0x10, s28, s13, $0xb8;
	[tilespmem:$0x50A0] =	vst v63  }
0x2e: {  	s29 =	simm.s32 $0x168  }
0x2f: {  	[spmem:s2] =	stream.indirect.scatter.add.f32 [tilespmem:s9], [sflag:$0x1], $0x10, s29, s13, $0xb8;
	[tilespmem:$0x50A0] =	vst v63  }
0x30: {  	s30 =	simm.s32 $0x190  }
0x31: {  	[spmem:s2] =	stream.indirect.scatter.add.f32 [tilespmem:s9], [sflag:$0x1], $0x10, s30, s13, $0xb8;
	[tilespmem:$0x50A0] =	vst v63  }
0x32: {  	s31 =	simm.s32 $0x1B8  }
0x33: {  	[spmem:s2] =	stream.indirect.scatter.add.f32 [tilespmem:s9], [sflag:$0x1], $0x10, s31, s13, $0xb8;
	[tilespmem:$0x50A0] =	vst v63  }
0x34: {  	s18 =	simm.s32 $0x1E0  }
0x35: {  	[spmem:s2] =	stream.indirect.scatter.add.f32 [tilespmem:s9], [sflag:$0x1], $0x10, s18, s13, $0xb8;
	[tilespmem:$0x50A0] =	vst v63  }
0x36: {  	s19 =	simm.s32 $0x208  }
0x37: {  	[spmem:s2] =	stream.indirect.scatter.add.f32 [tilespmem:s9], [sflag:$0x1], $0x10, s19, s13, $0xb8;
	[tilespmem:$0x50A0] =	vst v63  }
0x38: {  	s20 =	simm.s32 $0x230  }
0x39: {  	[spmem:s2] =	stream.indirect.scatter.add.f32 [tilespmem:s9], [sflag:$0x1], $0x10, s20, s13, $0xb8;
	[tilespmem:$0x50A0] =	vst v63  }
0x3a: {  	s21 =	simm.s32 $0x258  }
0x3b: {  	[spmem:s2] =	stream.indirect.scatter.add.f32 [tilespmem:s9], [sflag:$0x1], $0x10, s21, s13, $0xb8;
	[tilespmem:$0x50A0] =	vst v63  }
0x3c: {  	s22 =	simm.s32 $0x280  }
0x3d: {  	[spmem:s2] =	stream.indirect.scatter.add.f32 [tilespmem:s9], [sflag:$0x1], $0x10, s22, s13, $0xb8;
	[tilespmem:$0x50A0] =	vst v63  }
0x3e: {  	s23 =	simm.s32 $0x2A8  }
0x3f: {  	[spmem:s2] =	stream.indirect.scatter.add.f32 [tilespmem:s9], [sflag:$0x1], $0x10, s23, s13, $0xb8;
	[tilespmem:$0x50A0] =	vst v63  }
0x40: {  	s24 =	simm.s32 $0x2D0  }
0x41: {  	[spmem:s2] =	stream.indirect.scatter.add.f32 [tilespmem:s9], [sflag:$0x1], $0x10, s24, s13, $0xb8;
	[tilespmem:$0x50A0] =	vst v63  }
0x42: {  	s25 =	simm.s32 $0x2F8  }
0x43: {  	[spmem:s2] =	stream.indirect.scatter.add.f32 [tilespmem:s9], [sflag:$0x1], $0x10, s25, s13, $0xb8;
	[tilespmem:$0x50A0] =	vst v63  }
0x44: {  	s26 =	simm.s32 $0x320  }
0x45: {  	[spmem:s2] =	stream.indirect.scatter.add.f32 [tilespmem:s9], [sflag:$0x1], $0x10, s26, s13, $0xb8;
	[tilespmem:$0x50A0] =	vst v63  }
0x46: {  	s28 =	simm.s32 $0x348  }
0x47: {  	[spmem:s2] =	stream.indirect.scatter.add.f32 [tilespmem:s9], [sflag:$0x1], $0x10, s28, s13, $0xb8;
	[tilespmem:$0x50A0] =	vst v63  }
0x48: {  	s29 =	simm.s32 $0x370  }
0x49: {  	[spmem:s2] =	stream.indirect.scatter.add.f32 [tilespmem:s9], [sflag:$0x1], $0x10, s29, s13, $0xb8;
	[tilespmem:$0x50A0] =	vst v63  }
0x4a: {  	s30 =	simm.s32 $0x398  }
0x4b: {  	[spmem:s2] =	stream.indirect.scatter.add.f32 [tilespmem:s9], [sflag:$0x1], $0x10, s30, s13, $0xb8;
	[tilespmem:$0x50A0] =	vst v63  }
0x4c: {  	s31 =	simm.s32 $0x3C0  }
0x4d: {  	[spmem:s2] =	stream.indirect.scatter.add.f32 [tilespmem:s9], [sflag:$0x1], $0x10, s31, s13, $0xb8;
	[tilespmem:$0x50A0] =	vst v63  }
0x4e: {  	_ =	swait.ge [sflag:s14], $0x280  }
0x4f: {  	[sflag:s14] =	ssyncset.done $0x0  }
0x50: {  	[sflag:s14] =	ssyncadd.s32 $0xFFFFFD80  }
0x51: {  	_ =	swait.ge [sflag:s14], $0x280  }
0x52: {  	[sflag:s14] =	ssyncset.done $0x0  }
0x53: {  	[sflag:s14] =	ssyncadd.s32 $0xFFFFFD80  }
0x54: {  	_ =	swait.ge [sflag:s14], $0x280  }
0x55: {  	[sflag:s14] =	ssyncset.done $0x0  }
0x56: {  	[sflag:s14] =	ssyncadd.s32 $0xFFFFFD80  }
0x57: {  	_ =	swait.ge [sflag:s14], $0x280  }
0x58: {  	[sflag:s14] =	ssyncset.done $0x0  }
0x59: {  	[sflag:s14] =	ssyncadd.s32 $0xFFFFFD80  }
0x5a: {  	_ =	swait.ge [sflag:s14], $0x280  }
0x5b: {  	[sflag:s14] =	ssyncset.done $0x0  }
0x5c: {  	[sflag:s14] =	ssyncadd.s32 $0xFFFFFD80  }
0x5d: {  	_ =	swait.ge [sflag:s14], $0x280  }
0x5e: {  	[sflag:s14] =	ssyncset.done $0x0  }
0x5f: {  	[sflag:s14] =	ssyncadd.s32 $0xFFFFFD80  }
0x60: {  	_ =	swait.ge [sflag:s14], $0x280  }
0x61: {  	[sflag:s14] =	ssyncset.done $0x0  }
0x62: {  	[sflag:s14] =	ssyncadd.s32 $0xFFFFFD80  }
0x63: {  	_ =	swait.ge [sflag:s14], $0x280  }
0x64: {  	[sflag:s14] =	ssyncset.done $0x0  }
0x65: {  	[sflag:s14] =	ssyncadd.s32 $0xFFFFFD80  }
0x66: {  	_ =	swait.ge [sflag:s14], $0x280  }
0x67: {  	[sflag:s14] =	ssyncset.done $0x0  }
0x68: {  	[sflag:s14] =	ssyncadd.s32 $0xFFFFFD80  }
0x69: {  	_ =	swait.ge [sflag:s14], $0x280  }
0x6a: {  	[sflag:s14] =	ssyncset.done $0x0  }
0x6b: {  	[sflag:s14] =	ssyncadd.s32 $0xFFFFFD80  }
0x6c: {  	_ =	swait.ge [sflag:s14], $0x280  }
0x6d: {  	[sflag:s14] =	ssyncset.done $0x0  }
0x6e: {  	[sflag:s14] =	ssyncadd.s32 $0xFFFFFD80  }
0x6f: {  	_ =	swait.ge [sflag:s14], $0x280  }
0x70: {  	[sflag:s14] =	ssyncset.done $0x0  }
0x71: {  	[sflag:s14] =	ssyncadd.s32 $0xFFFFFD80  }
0x72: {  	_ =	swait.ge [sflag:s14], $0x280  }
0x73: {  	[sflag:s14] =	ssyncset.done $0x0  }
0x74: {  	[sflag:s14] =	ssyncadd.s32 $0xFFFFFD80  }
0x75: {  	_ =	swait.ge [sflag:s14], $0x280  }
0x76: {  	[sflag:s14] =	ssyncset.done $0x0  }
0x77: {  	[sflag:s14] =	ssyncadd.s32 $0xFFFFFD80  }
0x78: {  	_ =	swait.ge [sflag:s14], $0x280  }
0x79: {  	[sflag:s14] =	ssyncset.done $0x0  }
0x7a: {  	[sflag:s14] =	ssyncadd.s32 $0xFFFFFD80  }
0x7b: {  	_ =	swait.ge [sflag:s14], $0x280  }
0x7c: {  	[sflag:s14] =	ssyncset.done $0x0  }
0x7d: {  	[sflag:s14] =	ssyncadd.s32 $0xFFFFFD80  }
0x7e: {  	_ =	swait.ge [sflag:s14], $0x280  }
0x7f: {  	[sflag:s14] =	ssyncset.done $0x0  }
0x80: {  	[sflag:s14] =	ssyncadd.s32 $0xFFFFFD80  }
0x81: {  	_ =	swait.ge [sflag:s14], $0x280  }
0x82: {  	[sflag:s14] =	ssyncset.done $0x0  }
0x83: {  	[sflag:s14] =	ssyncadd.s32 $0xFFFFFD80  }
0x84: {  	_ =	swait.ge [sflag:s14], $0x280  }
0x85: {  	[sflag:s14] =	ssyncset.done $0x0  }
0x86: {  	[sflag:s14] =	ssyncadd.s32 $0xFFFFFD80  }
0x87: {  	_ =	swait.ge [sflag:s14], $0x280  }
0x88: {  	[sflag:s14] =	ssyncset.done $0x0  }
0x89: {  	[sflag:s14] =	ssyncadd.s32 $0xFFFFFD80  }
0x8a: {  	_ =	swait.ge [sflag:s14], $0x280  }
0x8b: {  	[sflag:s14] =	ssyncset.done $0x0  }
0x8c: {  	[sflag:s14] =	ssyncadd.s32 $0xFFFFFD80  }
0x8d: {  	_ =	swait.ge [sflag:s14], $0x280  }
0x8e: {  	[sflag:s14] =	ssyncset.done $0x0  }
0x8f: {  	[sflag:s14] =	ssyncadd.s32 $0xFFFFFD80  }
0x90: {  	_ =	swait.ge [sflag:s14], $0x280  }
0x91: {  	[sflag:s14] =	ssyncset.done $0x0  }
0x92: {  	[sflag:s14] =	ssyncadd.s32 $0xFFFFFD80  }
0x93: {  	_ =	swait.ge [sflag:s14], $0x280  }
0x94: {  	[sflag:s14] =	ssyncset.done $0x0  }
0x95: {  	[sflag:s14] =	ssyncadd.s32 $0xFFFFFD80  }
0x96: {  	_ =	swait.ge [sflag:s14], $0x280  }
0x97: {  	s17 =	simm.s32 $0xFA0;
	s20 =	simm.s32 $0x1F40;
	[sflag:s14] =	ssyncset.done $0x0  }
.LBB2_2:
0x98: {  	s19 =	sshra.s32 s17, $0x2  }
0x99: {  	[sflag:s14] =	ssyncadd.s32 $0xFFFFFD80;
	s17 =	smov.u32 s20;
	s18 =	sadd.s32 $0xFA0, s20  }
0x9a: {  	[spmem:s2] =	stream.indirect.scatter.add.f32 [tilespmem:s9], [sflag:$0x1], $0x10, s19, s13, $0xb8;
	[tilespmem:$0x50A0] =	vst v63  }
0x9b: {  	p1 =	sne.s32 s20, $0x8CA0;
	s20 =	sadd.s32 $0x28, s19  }
0x9c: {  	[spmem:s2] =	stream.indirect.scatter.add.f32 [tilespmem:s9], [sflag:$0x1], $0x10, s20, s13, $0xb8;
	[tilespmem:$0x50A0] =	vst v63  }
0x9d: {  	s20 =	sadd.s32 $0x50, s19  }
0x9e: {  	[spmem:s2] =	stream.indirect.scatter.add.f32 [tilespmem:s9], [sflag:$0x1], $0x10, s20, s13, $0xb8;
	[tilespmem:$0x50A0] =	vst v63  }
0x9f: {  	s20 =	sadd.s32 $0x78, s19  }
0xa0: {  	[spmem:s2] =	stream.indirect.scatter.add.f32 [tilespmem:s9], [sflag:$0x1], $0x10, s20, s13, $0xb8;
	[tilespmem:$0x50A0] =	vst v63  }
0xa1: {  	s20 =	sadd.s32 $0xA0, s19  }
0xa2: {  	[spmem:s2] =	stream.indirect.scatter.add.f32 [tilespmem:s9], [sflag:$0x1], $0x10, s20, s13, $0xb8;
	[tilespmem:$0x50A0] =	vst v63  }
0xa3: {  	s20 =	sadd.s32 $0xC8, s19  }
0xa4: {  	[spmem:s2] =	stream.indirect.scatter.add.f32 [tilespmem:s9], [sflag:$0x1], $0x10, s20, s13, $0xb8;
	[tilespmem:$0x50A0] =	vst v63  }
0xa5: {  	s20 =	sadd.s32 $0xF0, s19  }
0xa6: {  	[spmem:s2] =	stream.indirect.scatter.add.f32 [tilespmem:s9], [sflag:$0x1], $0x10, s20, s13, $0xb8;
	[tilespmem:$0x50A0] =	vst v63  }
0xa7: {  	s20 =	sadd.s32 $0x118, s19  }
0xa8: {  	[spmem:s2] =	stream.indirect.scatter.add.f32 [tilespmem:s9], [sflag:$0x1], $0x10, s20, s13, $0xb8;
	[tilespmem:$0x50A0] =	vst v63  }
0xa9: {  	s20 =	sadd.s32 $0x140, s19  }
0xaa: {  	[spmem:s2] =	stream.indirect.scatter.add.f32 [tilespmem:s9], [sflag:$0x1], $0x10, s20, s13, $0xb8;
	[tilespmem:$0x50A0] =	vst v63  }
0xab: {  	s20 =	sadd.s32 $0x168, s19  }
0xac: {  	[spmem:s2] =	stream.indirect.scatter.add.f32 [tilespmem:s9], [sflag:$0x1], $0x10, s20, s13, $0xb8;
	[tilespmem:$0x50A0] =	vst v63  }
0xad: {  	s20 =	sadd.s32 $0x190, s19  }
0xae: {  	[spmem:s2] =	stream.indirect.scatter.add.f32 [tilespmem:s9], [sflag:$0x1], $0x10, s20, s13, $0xb8;
	[tilespmem:$0x50A0] =	vst v63  }
0xaf: {  	s20 =	sadd.s32 $0x1B8, s19  }
0xb0: {  	[spmem:s2] =	stream.indirect.scatter.add.f32 [tilespmem:s9], [sflag:$0x1], $0x10, s20, s13, $0xb8;
	[tilespmem:$0x50A0] =	vst v63  }
0xb1: {  	s20 =	sadd.s32 $0x1E0, s19  }
0xb2: {  	[spmem:s2] =	stream.indirect.scatter.add.f32 [tilespmem:s9], [sflag:$0x1], $0x10, s20, s13, $0xb8;
	[tilespmem:$0x50A0] =	vst v63  }
0xb3: {  	s20 =	sadd.s32 $0x208, s19  }
0xb4: {  	[spmem:s2] =	stream.indirect.scatter.add.f32 [tilespmem:s9], [sflag:$0x1], $0x10, s20, s13, $0xb8;
	[tilespmem:$0x50A0] =	vst v63  }
0xb5: {  	s20 =	sadd.s32 $0x230, s19  }
0xb6: {  	[spmem:s2] =	stream.indirect.scatter.add.f32 [tilespmem:s9], [sflag:$0x1], $0x10, s20, s13, $0xb8;
	[tilespmem:$0x50A0] =	vst v63  }
0xb7: {  	s20 =	sadd.s32 $0x258, s19  }
0xb8: {  	[spmem:s2] =	stream.indirect.scatter.add.f32 [tilespmem:s9], [sflag:$0x1], $0x10, s20, s13, $0xb8;
	[tilespmem:$0x50A0] =	vst v63  }
0xb9: {  	s20 =	sadd.s32 $0x280, s19  }
0xba: {  	[spmem:s2] =	stream.indirect.scatter.add.f32 [tilespmem:s9], [sflag:$0x1], $0x10, s20, s13, $0xb8;
	[tilespmem:$0x50A0] =	vst v63  }
0xbb: {  	s20 =	sadd.s32 $0x2A8, s19  }
0xbc: {  	[spmem:s2] =	stream.indirect.scatter.add.f32 [tilespmem:s9], [sflag:$0x1], $0x10, s20, s13, $0xb8;
	[tilespmem:$0x50A0] =	vst v63  }
0xbd: {  	s20 =	sadd.s32 $0x2D0, s19  }
0xbe: {  	[spmem:s2] =	stream.indirect.scatter.add.f32 [tilespmem:s9], [sflag:$0x1], $0x10, s20, s13, $0xb8;
	[tilespmem:$0x50A0] =	vst v63  }
0xbf: {  	s20 =	sadd.s32 $0x2F8, s19  }
0xc0: {  	[spmem:s2] =	stream.indirect.scatter.add.f32 [tilespmem:s9], [sflag:$0x1], $0x10, s20, s13, $0xb8;
	[tilespmem:$0x50A0] =	vst v63  }
0xc1: {  	s20 =	sadd.s32 $0x320, s19  }
0xc2: {  	[spmem:s2] =	stream.indirect.scatter.add.f32 [tilespmem:s9], [sflag:$0x1], $0x10, s20, s13, $0xb8;
	[tilespmem:$0x50A0] =	vst v63  }
0xc3: {  	s20 =	sadd.s32 $0x348, s19  }
0xc4: {  	[spmem:s2] =	stream.indirect.scatter.add.f32 [tilespmem:s9], [sflag:$0x1], $0x10, s20, s13, $0xb8;
	[tilespmem:$0x50A0] =	vst v63  }
0xc5: {  	s20 =	sadd.s32 $0x370, s19  }
0xc6: {  	[spmem:s2] =	stream.indirect.scatter.add.f32 [tilespmem:s9], [sflag:$0x1], $0x10, s20, s13, $0xb8;
	[tilespmem:$0x50A0] =	vst v63  }
0xc7: {  	s20 =	sadd.s32 $0x398, s19  }
0xc8: {  	[spmem:s2] =	stream.indirect.scatter.add.f32 [tilespmem:s9], [sflag:$0x1], $0x10, s20, s13, $0xb8;
	[tilespmem:$0x50A0] =	vst v63  }
0xc9: {  	s19 =	sadd.s32 $0x3C0, s19  }
0xca: {  	[spmem:s2] =	stream.indirect.scatter.add.f32 [tilespmem:s9], [sflag:$0x1], $0x10, s19, s13, $0xb8;
	[tilespmem:$0x50A0] =	vst v63  }
0xcb: {  	_ =	swait.ge [sflag:s14], $0x280  }
0xcc: {  	[sflag:s14] =	ssyncset.done $0x0  }
0xcd: {  	[sflag:s14] =	ssyncadd.s32 $0xFFFFFD80  }
0xce: {  	_ =	swait.ge [sflag:s14], $0x280  }
0xcf: {  	[sflag:s14] =	ssyncset.done $0x0  }
0xd0: {  	[sflag:s14] =	ssyncadd.s32 $0xFFFFFD80  }
0xd1: {  	_ =	swait.ge [sflag:s14], $0x280  }
0xd2: {  	[sflag:s14] =	ssyncset.done $0x0  }
0xd3: {  	[sflag:s14] =	ssyncadd.s32 $0xFFFFFD80  }
0xd4: {  	_ =	swait.ge [sflag:s14], $0x280  }
0xd5: {  	[sflag:s14] =	ssyncset.done $0x0  }
0xd6: {  	[sflag:s14] =	ssyncadd.s32 $0xFFFFFD80  }
0xd7: {  	_ =	swait.ge [sflag:s14], $0x280  }
0xd8: {  	[sflag:s14] =	ssyncset.done $0x0  }
0xd9: {  	[sflag:s14] =	ssyncadd.s32 $0xFFFFFD80  }
0xda: {  	_ =	swait.ge [sflag:s14], $0x280  }
0xdb: {  	[sflag:s14] =	ssyncset.done $0x0  }
0xdc: {  	[sflag:s14] =	ssyncadd.s32 $0xFFFFFD80  }
0xdd: {  	_ =	swait.ge [sflag:s14], $0x280  }
0xde: {  	[sflag:s14] =	ssyncset.done $0x0  }
0xdf: {  	[sflag:s14] =	ssyncadd.s32 $0xFFFFFD80  }
0xe0: {  	_ =	swait.ge [sflag:s14], $0x280  }
0xe1: {  	[sflag:s14] =	ssyncset.done $0x0  }
0xe2: {  	[sflag:s14] =	ssyncadd.s32 $0xFFFFFD80  }
0xe3: {  	_ =	swait.ge [sflag:s14], $0x280  }
0xe4: {  	[sflag:s14] =	ssyncset.done $0x0  }
0xe5: {  	[sflag:s14] =	ssyncadd.s32 $0xFFFFFD80  }
0xe6: {  	_ =	swait.ge [sflag:s14], $0x280  }
0xe7: {  	[sflag:s14] =	ssyncset.done $0x0  }
0xe8: {  	[sflag:s14] =	ssyncadd.s32 $0xFFFFFD80  }
0xe9: {  	_ =	swait.ge [sflag:s14], $0x280  }
0xea: {  	[sflag:s14] =	ssyncset.done $0x0  }
0xeb: {  	[sflag:s14] =	ssyncadd.s32 $0xFFFFFD80  }
0xec: {  	_ =	swait.ge [sflag:s14], $0x280  }
0xed: {  	[sflag:s14] =	ssyncset.done $0x0  }
0xee: {  	[sflag:s14] =	ssyncadd.s32 $0xFFFFFD80  }
0xef: {  	_ =	swait.ge [sflag:s14], $0x280  }
0xf0: {  	[sflag:s14] =	ssyncset.done $0x0  }
0xf1: {  	[sflag:s14] =	ssyncadd.s32 $0xFFFFFD80  }
0xf2: {  	_ =	swait.ge [sflag:s14], $0x280  }
0xf3: {  	[sflag:s14] =	ssyncset.done $0x0  }
0xf4: {  	[sflag:s14] =	ssyncadd.s32 $0xFFFFFD80  }
0xf5: {  	_ =	swait.ge [sflag:s14], $0x280  }
0xf6: {  	[sflag:s14] =	ssyncset.done $0x0  }
0xf7: {  	[sflag:s14] =	ssyncadd.s32 $0xFFFFFD80  }
0xf8: {  	_ =	swait.ge [sflag:s14], $0x280  }
0xf9: {  	[sflag:s14] =	ssyncset.done $0x0  }
0xfa: {  	[sflag:s14] =	ssyncadd.s32 $0xFFFFFD80  }
0xfb: {  	_ =	swait.ge [sflag:s14], $0x280  }
0xfc: {  	[sflag:s14] =	ssyncset.done $0x0  }
0xfd: {  	[sflag:s14] =	ssyncadd.s32 $0xFFFFFD80  }
0xfe: {  	_ =	swait.ge [sflag:s14], $0x280  }
0xff: {  	[sflag:s14] =	ssyncset.done $0x0  }
0x100: {  	[sflag:s14] =	ssyncadd.s32 $0xFFFFFD80  }
0x101: {  	_ =	swait.ge [sflag:s14], $0x280  }
0x102: {  	[sflag:s14] =	ssyncset.done $0x0  }
0x103: {  	[sflag:s14] =	ssyncadd.s32 $0xFFFFFD80  }
0x104: {  	_ =	swait.ge [sflag:s14], $0x280  }
0x105: {  	[sflag:s14] =	ssyncset.done $0x0  }
0x106: {  	[sflag:s14] =	ssyncadd.s32 $0xFFFFFD80  }
0x107: {  	_ =	swait.ge [sflag:s14], $0x280  }
0x108: {  	[sflag:s14] =	ssyncset.done $0x0  }
0x109: {  	[sflag:s14] =	ssyncadd.s32 $0xFFFFFD80  }
0x10a: {  	_ =	swait.ge [sflag:s14], $0x280  }
0x10b: {  	[sflag:s14] =	ssyncset.done $0x0  }
0x10c: {  	[sflag:s14] =	ssyncadd.s32 $0xFFFFFD80  }
0x10d: {  	_ =	swait.ge [sflag:s14], $0x280  }
0x10e: {  	[sflag:s14] =	ssyncset.done $0x0  }
0x10f: {  	[sflag:s14] =	ssyncadd.s32 $0xFFFFFD80  }
.Ltmp0:
0x110: {  	_ =	swait.ge [sflag:s14], $0x280;
	(pc) =	sbr.rel @p1 .LBB2_2-.Ltmp0, $4  }
0x111: {  	[sflag:s14] =	ssyncset.done $0x0  }
0x112: {  	[sflag:s14] =	ssyncadd.s32 $0xFFFFFD80  }
0x113: {  	_ =	swait.ge [sflag:s14], $0x280  }
0x114: {  	s20 =	smov.u32 s18;
	[sflag:s14] =	ssyncset.done $0x0  }
0x115: {  	s17 =	sshra.s32 s17, $0x2;
	[sflag:s14] =	ssyncadd.s32 $0xFFFFFD80  }
0x116: {  	[spmem:s2] =	stream.indirect.scatter.add.f32 [tilespmem:s9], [sflag:$0x1], $0x10, s17, s13, $0xb8;
	[tilespmem:$0x50A0] =	vst v63  }
0x117: {  	s18 =	sadd.s32 $0x28, s17  }
0x118: {  	[spmem:s2] =	stream.indirect.scatter.add.f32 [tilespmem:s9], [sflag:$0x1], $0x10, s18, s13, $0xb8;
	[tilespmem:$0x50A0] =	vst v63  }
0x119: {  	s21 =	sadd.s32 $0x50, s17  }
0x11a: {  	[spmem:s2] =	stream.indirect.scatter.add.f32 [tilespmem:s9], [sflag:$0x1], $0x10, s21, s13, $0xb8;
	[tilespmem:$0x50A0] =	vst v63  }
0x11b: {  	s22 =	sadd.s32 $0x78, s17  }
0x11c: {  	[spmem:s2] =	stream.indirect.scatter.add.f32 [tilespmem:s9], [sflag:$0x1], $0x10, s22, s13, $0xb8;
	[tilespmem:$0x50A0] =	vst v63  }
0x11d: {  	s23 =	sadd.s32 $0xA0, s17  }
0x11e: {  	[spmem:s2] =	stream.indirect.scatter.add.f32 [tilespmem:s9], [sflag:$0x1], $0x10, s23, s13, $0xb8;
	[tilespmem:$0x50A0] =	vst v63  }
0x11f: {  	s24 =	sadd.s32 $0xC8, s17  }
0x120: {  	[spmem:s2] =	stream.indirect.scatter.add.f32 [tilespmem:s9], [sflag:$0x1], $0x10, s24, s13, $0xb8;
	[tilespmem:$0x50A0] =	vst v63  }
0x121: {  	s25 =	sadd.s32 $0xF0, s17  }
0x122: {  	[spmem:s2] =	stream.indirect.scatter.add.f32 [tilespmem:s9], [sflag:$0x1], $0x10, s25, s13, $0xb8;
	[tilespmem:$0x50A0] =	vst v63  }
0x123: {  	s26 =	sadd.s32 $0x118, s17  }
0x124: {  	[spmem:s2] =	stream.indirect.scatter.add.f32 [tilespmem:s9], [sflag:$0x1], $0x10, s26, s13, $0xb8;
	[tilespmem:$0x50A0] =	vst v63  }
0x125: {  	s28 =	sadd.s32 $0x140, s17  }
0x126: {  	[spmem:s2] =	stream.indirect.scatter.add.f32 [tilespmem:s9], [sflag:$0x1], $0x10, s28, s13, $0xb8;
	[tilespmem:$0x50A0] =	vst v63  }
0x127: {  	s29 =	sadd.s32 $0x168, s17  }
0x128: {  	[spmem:s2] =	stream.indirect.scatter.add.f32 [tilespmem:s9], [sflag:$0x1], $0x10, s29, s13, $0xb8;
	[tilespmem:$0x50A0] =	vst v63  }
0x129: {  	s30 =	sadd.s32 $0x190, s17  }
0x12a: {  	[spmem:s2] =	stream.indirect.scatter.add.f32 [tilespmem:s9], [sflag:$0x1], $0x10, s30, s13, $0xb8;
	[tilespmem:$0x50A0] =	vst v63  }
0x12b: {  	s31 =	sadd.s32 $0x1B8, s17  }
0x12c: {  	[spmem:s2] =	stream.indirect.scatter.add.f32 [tilespmem:s9], [sflag:$0x1], $0x10, s31, s13, $0xb8;
	[tilespmem:$0x50A0] =	vst v63  }
0x12d: {  	s19 =	sadd.s32 $0x1E0, s17  }
0x12e: {  	[spmem:s2] =	stream.indirect.scatter.add.f32 [tilespmem:s9], [sflag:$0x1], $0x10, s19, s13, $0xb8;
	[tilespmem:$0x50A0] =	vst v63  }
0x12f: {  	s20 =	sadd.s32 $0x208, s17  }
0x130: {  	[spmem:s2] =	stream.indirect.scatter.add.f32 [tilespmem:s9], [sflag:$0x1], $0x10, s20, s13, $0xb8;
	[tilespmem:$0x50A0] =	vst v63  }
0x131: {  	s21 =	sadd.s32 $0x230, s17  }
0x132: {  	[spmem:s2] =	stream.indirect.scatter.add.f32 [tilespmem:s9], [sflag:$0x1], $0x10, s21, s13, $0xb8;
	[tilespmem:$0x50A0] =	vst v63  }
0x133: {  	s22 =	sadd.s32 $0x258, s17  }
0x134: {  	[spmem:s2] =	stream.indirect.scatter.add.f32 [tilespmem:s9], [sflag:$0x1], $0x10, s22, s13, $0xb8;
	[tilespmem:$0x50A0] =	vst v63  }
0x135: {  	s23 =	sadd.s32 $0x280, s17  }
0x136: {  	[spmem:s2] =	stream.indirect.scatter.add.f32 [tilespmem:s9], [sflag:$0x1], $0x10, s23, s13, $0xb8;
	[tilespmem:$0x50A0] =	vst v63  }
0x137: {  	s24 =	sadd.s32 $0x2A8, s17  }
0x138: {  	[spmem:s2] =	stream.indirect.scatter.add.f32 [tilespmem:s9], [sflag:$0x1], $0x10, s24, s13, $0xb8;
	[tilespmem:$0x50A0] =	vst v63  }
0x139: {  	s25 =	sadd.s32 $0x2D0, s17  }
0x13a: {  	[spmem:s2] =	stream.indirect.scatter.add.f32 [tilespmem:s9], [sflag:$0x1], $0x10, s25, s13, $0xb8;
	[tilespmem:$0x50A0] =	vst v63  }
0x13b: {  	s26 =	sadd.s32 $0x2F8, s17  }
0x13c: {  	[spmem:s2] =	stream.indirect.scatter.add.f32 [tilespmem:s9], [sflag:$0x1], $0x10, s26, s13, $0xb8;
	[tilespmem:$0x50A0] =	vst v63  }
0x13d: {  	s28 =	sadd.s32 $0x320, s17  }
0x13e: {  	[spmem:s2] =	stream.indirect.scatter.add.f32 [tilespmem:s9], [sflag:$0x1], $0x10, s28, s13, $0xb8;
	[tilespmem:$0x50A0] =	vst v63  }
0x13f: {  	s29 =	sadd.s32 $0x348, s17  }
0x140: {  	[spmem:s2] =	stream.indirect.scatter.add.f32 [tilespmem:s9], [sflag:$0x1], $0x10, s29, s13, $0xb8;
	[tilespmem:$0x50A0] =	vst v63  }
0x141: {  	s30 =	sadd.s32 $0x370, s17  }
0x142: {  	[spmem:s2] =	stream.indirect.scatter.add.f32 [tilespmem:s9], [sflag:$0x1], $0x10, s30, s13, $0xb8;
	[tilespmem:$0x50A0] =	vst v63  }
0x143: {  	s31 =	sadd.s32 $0x398, s17  }
0x144: {  	[spmem:s2] =	stream.indirect.scatter.add.f32 [tilespmem:s9], [sflag:$0x1], $0x10, s31, s13, $0xb8;
	[tilespmem:$0x50A0] =	vst v63  }
0x145: {  	s17 =	sadd.s32 $0x3C0, s17  }
0x146: {  	[spmem:s2] =	stream.indirect.scatter.add.f32 [tilespmem:s9], [sflag:$0x1], $0x10, s17, s13, $0xb8;
	[tilespmem:$0x50A0] =	vst v63  }
0x147: {  	_ =	swait.ge [sflag:s14], $0x280  }
0x148: {  	[sflag:s14] =	ssyncset.done $0x0  }
0x149: {  	[sflag:s14] =	ssyncadd.s32 $0xFFFFFD80  }
0x14a: {  	_ =	swait.ge [sflag:s14], $0x280  }
0x14b: {  	[sflag:s14] =	ssyncset.done $0x0  }
0x14c: {  	[sflag:s14] =	ssyncadd.s32 $0xFFFFFD80  }
0x14d: {  	_ =	swait.ge [sflag:s14], $0x280  }
0x14e: {  	[sflag:s14] =	ssyncset.done $0x0  }
0x14f: {  	[sflag:s14] =	ssyncadd.s32 $0xFFFFFD80  }
0x150: {  	_ =	swait.ge [sflag:s14], $0x280  }
0x151: {  	[sflag:s14] =	ssyncset.done $0x0  }
0x152: {  	[sflag:s14] =	ssyncadd.s32 $0xFFFFFD80  }
0x153: {  	_ =	swait.ge [sflag:s14], $0x280  }
0x154: {  	[sflag:s14] =	ssyncset.done $0x0  }
0x155: {  	[sflag:s14] =	ssyncadd.s32 $0xFFFFFD80  }
0x156: {  	_ =	swait.ge [sflag:s14], $0x280  }
0x157: {  	[sflag:s14] =	ssyncset.done $0x0  }
0x158: {  	[sflag:s14] =	ssyncadd.s32 $0xFFFFFD80  }
0x159: {  	_ =	swait.ge [sflag:s14], $0x280  }
0x15a: {  	[sflag:s14] =	ssyncset.done $0x0  }
0x15b: {  	[sflag:s14] =	ssyncadd.s32 $0xFFFFFD80  }
0x15c: {  	_ =	swait.ge [sflag:s14], $0x280  }
0x15d: {  	[sflag:s14] =	ssyncset.done $0x0  }
0x15e: {  	[sflag:s14] =	ssyncadd.s32 $0xFFFFFD80  }
0x15f: {  	_ =	swait.ge [sflag:s14], $0x280  }
0x160: {  	[sflag:s14] =	ssyncset.done $0x0  }
0x161: {  	[sflag:s14] =	ssyncadd.s32 $0xFFFFFD80  }
0x162: {  	_ =	swait.ge [sflag:s14], $0x280  }
0x163: {  	[sflag:s14] =	ssyncset.done $0x0  }
0x164: {  	[sflag:s14] =	ssyncadd.s32 $0xFFFFFD80  }
0x165: {  	_ =	swait.ge [sflag:s14], $0x280  }
0x166: {  	[sflag:s14] =	ssyncset.done $0x0  }
0x167: {  	[sflag:s14] =	ssyncadd.s32 $0xFFFFFD80  }
0x168: {  	_ =	swait.ge [sflag:s14], $0x280  }
0x169: {  	[sflag:s14] =	ssyncset.done $0x0  }
0x16a: {  	[sflag:s14] =	ssyncadd.s32 $0xFFFFFD80  }
0x16b: {  	_ =	swait.ge [sflag:s14], $0x280  }
0x16c: {  	[sflag:s14] =	ssyncset.done $0x0  }
0x16d: {  	[sflag:s14] =	ssyncadd.s32 $0xFFFFFD80  }
0x16e: {  	_ =	swait.ge [sflag:s14], $0x280  }
0x16f: {  	[sflag:s14] =	ssyncset.done $0x0  }
0x170: {  	[sflag:s14] =	ssyncadd.s32 $0xFFFFFD80  }
0x171: {  	_ =	swait.ge [sflag:s14], $0x280  }
0x172: {  	[sflag:s14] =	ssyncset.done $0x0  }
0x173: {  	[sflag:s14] =	ssyncadd.s32 $0xFFFFFD80  }
0x174: {  	_ =	swait.ge [sflag:s14], $0x280  }
0x175: {  	[sflag:s14] =	ssyncset.done $0x0  }
0x176: {  	[sflag:s14] =	ssyncadd.s32 $0xFFFFFD80  }
0x177: {  	_ =	swait.ge [sflag:s14], $0x280  }
0x178: {  	[sflag:s14] =	ssyncset.done $0x0  }
0x179: {  	[sflag:s14] =	ssyncadd.s32 $0xFFFFFD80  }
0x17a: {  	_ =	swait.ge [sflag:s14], $0x280  }
0x17b: {  	[sflag:s14] =	ssyncset.done $0x0  }
0x17c: {  	[sflag:s14] =	ssyncadd.s32 $0xFFFFFD80  }
0x17d: {  	_ =	swait.ge [sflag:s14], $0x280  }
0x17e: {  	[sflag:s14] =	ssyncset.done $0x0  }
0x17f: {  	[sflag:s14] =	ssyncadd.s32 $0xFFFFFD80  }
0x180: {  	_ =	swait.ge [sflag:s14], $0x280  }
0x181: {  	[sflag:s14] =	ssyncset.done $0x0  }
0x182: {  	[sflag:s14] =	ssyncadd.s32 $0xFFFFFD80  }
0x183: {  	_ =	swait.ge [sflag:s14], $0x280  }
0x184: {  	[sflag:s14] =	ssyncset.done $0x0  }
0x185: {  	[sflag:s14] =	ssyncadd.s32 $0xFFFFFD80  }
0x186: {  	_ =	swait.ge [sflag:s14], $0x280  }
0x187: {  	[sflag:s14] =	ssyncset.done $0x0  }
0x188: {  	[sflag:s14] =	ssyncadd.s32 $0xFFFFFD80  }
0x189: {  	_ =	swait.ge [sflag:s14], $0x280  }
0x18a: {  	[sflag:s14] =	ssyncset.done $0x0  }
0x18b: {  	[sflag:s14] =	ssyncadd.s32 $0xFFFFFD80  }
0x18c: {  	_ =	swait.ge [sflag:s14], $0x280  }
0x18d: {  	[sflag:s14] =	ssyncset.done $0x0  }
0x18e: {  	[sflag:s14] =	ssyncadd.s32 $0xFFFFFD80  }
0x18f: {  	_ =	swait.ge [sflag:s14], $0x280  }
0x190: {  	s16 =	sadd.s32 $0x1, s16;
	[sflag:s14] =	ssyncset.done $0x0  }
0x191: {  	p1 =	sne.s32 s16, s8;
	[sflag:s14] =	ssyncadd.s32 $0xFFFFFD80  }
.Ltmp1:
0x192: {  	s17 =	simm.s32 @!p0 $0x2;
	[bflag:$0x0] =	sbarrier.arrive $0xFFFF;
	(pc) =	sbr.rel @p1 .LBB2_1-.Ltmp1, $4  }
0x193: {  	[hbm:s7], [sflag:s11] =	dma.local @!p0 [spmem:s15], $0x7D0  }
0x194: {  	_ =	swait.ge @!p0 [sflag:s17], $0x7D0  }
0x195: {  	[sflag:s17] =	ssyncset.done @!p0 $0x0  }
0x196: {  	[sflag:s17] =	ssyncadd.s32 @!p0 $0xFFFFF830  }
0x197: {  	_ =	sfence.sel $0x180000  }
0x198: {  	[bflag:$0x0] =	sbarrier.arrive $0xFFFF  }
0x199: {  	p0 =	sne.s32 s0, $0x0;
	_ =	strace $0x90000047  }
0x19a: {  	s0 =	sadd.s32 @!p0 $0x100000, s1;
	[bflag:$0x2] =	sbarrier.arrive $0xFFFF  }
0x19b: {  	[sflag:s0] =	ssyncadd.tile.s32 @!p0 $0x1;
	_ =	shalt  }
.Lfunc_end2:
_tile_overlayer_lowered:
.L_overlay_start_2:
0x19c: {  	(tag) =	ssettag $0x2  }
0x19d: {  	s0 =	rddreg [dreg:$0x0];
	s2 =	stileid.u32  }
0x19e: {  	s1 =	rddreg [dreg:$0x1];
	p0 =	sne.s32 s2, $0x0  }
0x19f: {  	s3 =	rddreg [dreg:$0x2];
	[bflag:$0x3] =	sbarrier.arrive $0xFFFF;
	s2 =	simm.s32 @!p0 $0x1C02  }
0x1a0: {  	[timem:s3], [sflag:s2] =	dma.local @!p0 [hbm:s0], s1  }
0x1a1: {  	s0 =	simm.s32 @!p0 $0x2  }
0x1a2: {  	_ =	swait.ge @!p0 [sflag:s0], s1  }
0x1a3: {  	s1 =	ssub.s32 @!p0 $0x0, s1;
	[sflag:s0] =	ssyncset.done @!p0 $0x0  }
0x1a4: {  	[sflag:s0] =	ssyncadd.s32 @!p0 s1  }
0x1a5: {  	[bflag:$0x3] =	sbarrier.arrive $0xFFFF  }
0x1a6: {  	_ =	shalt  }

</sc_bundles>
